<compile_context>
chip_gen: v7x
topology: tpu7x:2x2x1
jax: 0.10.2.dev20260603
libtpu: 0.0.44.dev20260713+nightly
codegen_flags: <defaults>
</compile_context>

<pallas_src>
import functools

import jax
import jax.numpy as jnp
from jax import lax
from jax.experimental import pallas as pl
from jax.experimental.pallas import tpu as pltpu
from jax.experimental.pallas import tpu_sc as plsc

N_EXP = 8
HID = 1024
TOK = 4096
BLK = 256
NUM_BLOCKS = TOK // BLK + N_EXP
PADDED = NUM_BLOCKS * BLK

NC = 2
NS = 16
NW = NC * NS


_ROWS = 32
_LANES = TOK // _ROWS
_NA_LANE = 120


def _route_body(e_ref, dest_ref, meta_ref):
    e = e_ref[...]
    li = lax.broadcasted_iota(jnp.int32, (_LANES, _LANES), 0)
    lj = lax.broadcasted_iota(jnp.int32, (_LANES, _LANES), 1)
    tri_incl = (li <= lj).astype(jnp.bfloat16)
    ri = lax.broadcasted_iota(jnp.int32, (_ROWS, _ROWS), 0)
    rj = lax.broadcasted_iota(jnp.int32, (_ROWS, _ROWS), 1)
    tri_strict = (rj < ri).astype(jnp.bfloat16)
    ones_col = jnp.ones((_LANES, 1), jnp.bfloat16)

    dest = jnp.zeros((_ROWS, _LANES), jnp.float32)
    offs = 0.0
    cumblk = []
    present = []
    for k in range(N_EXP):
        m = (e == k).astype(jnp.bfloat16)
        pfx = lax.dot_general(
            m, tri_incl, (((1,), (0,)), ((), ())),
            preferred_element_type=jnp.float32,
        )
        rowsum = lax.dot_general(
            m, ones_col, (((1,), (0,)), ((), ())),
            preferred_element_type=jnp.float32,
        )
        rowpfx = lax.dot_general(
            tri_strict, rowsum.astype(jnp.bfloat16), (((1,), (0,)), ((), ())),
            preferred_element_type=jnp.float32,
        )
        g = pfx + rowpfx
        count = jnp.sum(rowsum)
        padded = jnp.floor((count + (BLK - 1)) * (1.0 / BLK)) * BLK
        dest = dest + m.astype(jnp.float32) * (offs - 1.0 + g)
        offs = offs + padded
        cumblk.append(offs * (1.0 / BLK))
        present.append(count > 0.5)
    dest_ref[...] = dest.astype(jnp.int32)

    lane = lax.broadcasted_iota(jnp.int32, (8, _LANES), 1).astype(jnp.float32)
    be = jnp.zeros((8, _LANES), jnp.float32)
    for k in range(N_EXP):
        be = be + (lane >= cumblk[k]).astype(jnp.float32)
    be = jnp.minimum(be, float(N_EXP - 1))
    nxt = jnp.full((8, _LANES), float(N_EXP))
    for k in range(N_EXP - 1, -1, -1):
        nxt = jnp.where(jnp.logical_and(be < float(k), present[k]), float(k), nxt)
    grank = jnp.zeros((8, _LANES), jnp.float32)
    for k in range(N_EXP):
        grank = grank + jnp.where(
            jnp.logical_and(be > float(k), present[k]), 1.0, 0.0
        )
    nn = jnp.full((8, _LANES), float(N_EXP))
    for k in range(N_EXP - 1, -1, -1):
        nn = jnp.where(jnp.logical_and(nxt < float(k), present[k]), float(k), nn)
    row0 = jnp.where(lane == float(_NA_LANE), cumblk[N_EXP - 1], be)
    ridx = lax.broadcasted_iota(jnp.int32, (8, _LANES), 0)
    out = jnp.where(ridx == 1, nxt, row0)
    out = jnp.where(ridx == 2, grank, out)
    out = jnp.where(ridx == 3, nn, out)
    meta_ref[...] = out.astype(jnp.int32)


def _route_metadata(chosen_ops):
    e32 = chosen_ops.astype(jnp.int32).reshape(_ROWS, _LANES)
    dest, meta = pl.pallas_call(
        _route_body,
        out_shape=(
            jax.ShapeDtypeStruct((_ROWS, _LANES), jnp.int32),
            jax.ShapeDtypeStruct((8, _LANES), jnp.int32),
        ),
    )(e32)
    return dest, meta


def _sc_scatter_rows(x, dest):
    bpw = TOK // NW
    chunk = 32
    n_chunks = bpw // chunk
    dest3 = dest.reshape(NW, n_chunks, chunk)
    mesh = plsc.VectorSubcoreMesh(core_axis_name="c", subcore_axis_name="s")

    @functools.partial(
        pl.kernel,
        mesh=mesh,
        out_type=jax.ShapeDtypeStruct((PADDED, HID), jnp.float32),
        scratch_types=[
            pltpu.VMEM((n_chunks, chunk), jnp.int32),
            pltpu.VMEM((chunk, HID), jnp.float32),
            pltpu.VMEM((chunk, HID), jnp.float32),
            pltpu.SemaphoreType.DMA,
            pltpu.SemaphoreType.DMA,
        ],
    )
    def scatter_kernel(x_hbm, idx_hbm, out_hbm, idx_v, rows_a, rows_b, sem_a, sem_b):
        wid = lax.axis_index("s") * NC + lax.axis_index("c")
        base = wid * bpw
        pltpu.sync_copy(idx_hbm.at[wid], idx_v)
        bufs = (rows_a, rows_b)
        sems = (sem_a, sem_b)
        copies = [None, None]
        for c in range(n_chunks):
            if c >= 2:
                copies[c % 2].wait()
            pltpu.sync_copy(x_hbm.at[pl.ds(base + c * chunk, chunk)], bufs[c % 2])
            copies[c % 2] = pltpu.async_copy(
                bufs[c % 2], out_hbm.at[idx_v.at[c]], sems[c % 2]
            )
        copies[(n_chunks - 2) % 2].wait()
        copies[(n_chunks - 1) % 2].wait()

    return scatter_kernel(x, dest3)


def _sc_gather_rows(table, idx, n_rows):
    bpw = n_rows // NW
    chunk = 32
    n_chunks = bpw // chunk
    mesh = plsc.VectorSubcoreMesh(core_axis_name="c", subcore_axis_name="s")

    @functools.partial(
        pl.kernel,
        mesh=mesh,
        out_type=jax.ShapeDtypeStruct((n_rows, HID), jnp.float32),
        scratch_types=[
            pltpu.VMEM((bpw,), jnp.int32),
            pltpu.VMEM((chunk, HID), jnp.float32),
            pltpu.VMEM((chunk, HID), jnp.float32),
            pltpu.SemaphoreType.DMA,
            pltpu.SemaphoreType.DMA,
        ],
    )
    def gather_kernel(table_hbm, idx_hbm, out_hbm, idx_v, rows_a, rows_b, sem_a, sem_b):
        wid = lax.axis_index("s") * NC + lax.axis_index("c")
        base = wid * bpw
        pltpu.sync_copy(idx_hbm.at[pl.ds(base, bpw)], idx_v)
        bufs = (rows_a, rows_b)
        sems = (sem_a, sem_b)
        copies = [None, None]
        for c in range(n_chunks):
            copies[c % 2] = pltpu.async_copy(
                table_hbm.at[idx_v.at[pl.ds(c * chunk, chunk)]],
                bufs[c % 2],
                sems[c % 2],
            )
            if c >= 1:
                copies[(c - 1) % 2].wait()
                pltpu.sync_copy(
                    bufs[(c - 1) % 2],
                    out_hbm.at[pl.ds(base + (c - 1) * chunk, chunk)],
                )
        copies[(n_chunks - 1) % 2].wait()
        pltpu.sync_copy(
            bufs[(n_chunks - 1) % 2],
            out_hbm.at[pl.ds(base + (n_chunks - 1) * chunk, chunk)],
        )

    return gather_kernel(table, idx)


def _tc_mlp_body(
    meta_ref, xs_ref, w1_hbm, b1_ref, w2_hbm, b2_ref, out_ref, w1s, w2s, sems
):
    i = pl.program_id(0)
    active = i < meta_ref[0, _NA_LANE]
    cur = meta_ref[0, i]
    nxt = meta_ref[1, i]
    grank = meta_ref[2, i]
    slot = grank % 2
    prev = meta_ref[0, jnp.maximum(i - 1, 0)]
    switch = jnp.logical_or(i == 0, prev != cur)

    @pl.when(jnp.logical_and(active, i == 0))
    def _():
        pltpu.make_async_copy(w1_hbm.at[cur], w1s.at[slot], sems.at[0, slot]).start()
        pltpu.make_async_copy(w2_hbm.at[cur], w2s.at[slot], sems.at[1, slot]).start()

    @pl.when(jnp.logical_and(active, jnp.logical_and(switch, nxt < N_EXP)))
    def _():
        oslot = 1 - slot
        pltpu.make_async_copy(w1_hbm.at[nxt], w1s.at[oslot], sems.at[0, oslot]).start()
        pltpu.make_async_copy(w2_hbm.at[nxt], w2s.at[oslot], sems.at[1, oslot]).start()

    @pl.when(jnp.logical_and(active, switch))
    def _():
        pltpu.make_async_copy(w1_hbm.at[cur], w1s.at[slot], sems.at[0, slot]).wait()
        pltpu.make_async_copy(w2_hbm.at[cur], w2s.at[slot], sems.at[1, slot]).wait()

    @pl.when(active)
    def _():
        x = xs_ref[...].astype(jnp.bfloat16)
        h = lax.dot_general(
            x, w1s[slot].astype(jnp.bfloat16), (((1,), (1,)), ((), ())),
            preferred_element_type=jnp.float32,
        )
        h = jnp.maximum(h + b1_ref[0], 0.0).astype(jnp.bfloat16)
        r = lax.dot_general(
            h, w2s[slot].astype(jnp.bfloat16), (((1,), (1,)), ((), ())),
            preferred_element_type=jnp.float32,
        )
        r = jnp.maximum(r + b2_ref[0], 0.0)
        out_ref[...] = r + 0.01 * r


def _tc_mlp(xs, W1, b1, W2, b2, meta):
    def xs_map(i, meta):
        return (jnp.minimum(i, meta[0, _NA_LANE] - 1), 0)

    grid_spec = pltpu.PrefetchScalarGridSpec(
        num_scalar_prefetch=1,
        grid=(NUM_BLOCKS,),
        in_specs=[
            pl.BlockSpec((BLK, HID), xs_map),
            pl.BlockSpec(memory_space=pl.ANY),
            pl.BlockSpec((1, 1, HID), lambda i, meta: (meta[0, i], 0, 0)),
            pl.BlockSpec(memory_space=pl.ANY),
            pl.BlockSpec((1, 1, HID), lambda i, meta: (meta[0, i], 0, 0)),
        ],
        out_specs=pl.BlockSpec((BLK, HID), xs_map),
        scratch_shapes=[
            pltpu.VMEM((2, HID, HID), jnp.float32),
            pltpu.VMEM((2, HID, HID), jnp.float32),
            pltpu.SemaphoreType.DMA((2, 2)),
        ],
    )
    return pl.pallas_call(
        _tc_mlp_body,
        grid_spec=grid_spec,
        out_shape=jax.ShapeDtypeStruct((PADDED, HID), jnp.float32),
    )(
        meta,
        xs,
        W1,
        b1.reshape(N_EXP, 1, HID),
        W2,
        b2.reshape(N_EXP, 1, HID),
    )


def kernel(x, chosen_ops, W1, b1, W2, b2):
    dest, meta = _route_metadata(chosen_ops)
    xs = _sc_scatter_rows(x, dest)
    ys = _tc_mlp(xs, W1, b1, W2, b2, meta)
    out = _sc_gather_rows(ys, dest.reshape(TOK), TOK)
    return out

# --- scband reference (transcript-rebuilt; emitter-appended) ---
"""Pipeline reference for scband-temper-35734127903246 (READ-ONLY COPY).

The authoritative reference and input builder live on the scoring server;
editing this copy changes nothing except your own understanding.
"""

import jax, jax.numpy as jnp
import numpy as np

NUM_OPS = 8
HID = 1024
TOK = 4096


def setup_inputs(seed: int = 0) -> dict:
    key = jax.random.key(seed)
    ks = jax.random.split(key, 7)
    x = jax.random.normal(ks[0], (TOK, HID), dtype=jnp.float32)
    # Categorical sample over softmax(operator_logits); logits init to zeros => uniform.
    chosen_ops = jax.random.randint(ks[1], (TOK,), 0, NUM_OPS, dtype=jnp.int64)
    lim = 1.0 / np.sqrt(HID)
    W1 = jax.random.uniform(ks[2], (NUM_OPS, HID, HID), minval=-lim, maxval=lim, dtype=jnp.float32)
    b1 = jax.random.uniform(ks[3], (NUM_OPS, HID), minval=-lim, maxval=lim, dtype=jnp.float32)
    W2 = jax.random.uniform(ks[4], (NUM_OPS, HID, HID), minval=-lim, maxval=lim, dtype=jnp.float32)
    b2 = jax.random.uniform(ks[5], (NUM_OPS, HID), minval=-lim, maxval=lim, dtype=jnp.float32)
    return {"x": x, "chosen_ops": chosen_ops, "W1": W1, "b1": b1, "W2": W2, "b2": b2}


def reference(x, chosen_ops, W1, b1, W2, b2):
    # Faithful translation of Temper.apply_operators:
    # each token is routed to exactly one operator (2-layer ReLU MLP).
    # operator_freshness is initialized to 5.0 > 0, so every operator applies the
    # +1% freshness boost: result = result + 0.01 * result.
    out = jnp.zeros_like(x)
    for idx in range(NUM_OPS):
        h = jax.nn.relu(x @ W1[idx].T + b1[idx])
        res = jax.nn.relu(h @ W2[idx].T + b2[idx])
        res = res + 0.01 * res  # freshness > 0 branch
        mask = (chosen_ops == idx)[:, None]
        out = jnp.where(mask, res, out)
    return out

if __name__ == "__main__":
    import jax
    _d = setup_inputs()
    print(jax.jit(kernel)(*tuple(_d.values())))

</pallas_src>

<mosaic_0001>
#map = affine_map<(d0, d1) -> (0, 0)>
#map1 = affine_map<(d0, d1) -> (0, 0, 0)>
module attributes {stable_mosaic.version = 14 : i64} {
  func.func @scatter_kernel(%arg0: i32, %arg1: i32, %arg2: memref<4096x1024xf32, #tpu.memory_space<hbm>>, %arg3: memref<32x4x32xi32, #tpu.memory_space<hbm>>, %arg4: memref<6144x1024xf32, #tpu.memory_space<hbm>>, %arg5: memref<4x32xi32, #tpu.memory_space<vmem>>, %arg6: memref<32x1024xf32, #tpu.memory_space<vmem>>, %arg7: memref<32x1024xf32, #tpu.memory_space<vmem>>, %arg8: memref<!tpu.dma_semaphore, #tpu.memory_space<semaphore_mem>>, %arg9: memref<!tpu.dma_semaphore, #tpu.memory_space<semaphore_mem>>) attributes {dimension_semantics = [#tpu.dimension_semantics<core_parallel>, #tpu.dimension_semantics<subcore_parallel>], iteration_bounds = array<i64: 2, 16>, scalar_prefetch = 0 : i64, scratch_operands = 5 : i64, tpu.core_type = #tpu.core_type<sc_vector_subcore>, window_params = [{transform_indices = #map}, {transform_indices = #map1}, {transform_indices = #map}]} {
    %mul3A = arith.constant 2 : i32
    %mul3A_0 = arith.muli %arg1, %mul3A : i32
    %add3A = arith.addi %mul3A_0, %arg0 : i32
    %mul3A_1 = arith.constant 128 : i32
    %mul3A_2 = arith.muli %add3A, %mul3A_1 : i32
    "tpu.region"() ({
      %run_scoped3A = tpu.sem_alloc : memref<!tpu.dma_semaphore, #tpu.memory_space<semaphore_mem>>
      %dma_start3A_65 = arith.constant 0 : i32
      %dma_start3A_66 = arith.constant 0 : i32
      %dma_start3A_67 = tpu.memref_slice %arg3[%add3A, %dma_start3A_65, %dma_start3A_66] : memref<32x4x32xi32, #tpu.memory_space<hbm>> -> memref<1x4x32xi32, #tpu.memory_space<hbm>>
      %dma_start3A_68 = tpu.memref_squeeze %dma_start3A_67 : memref<1x4x32xi32, #tpu.memory_space<hbm>> -> memref<4x32xi32, #tpu.memory_space<hbm>>
      %dma_start3A_69 = arith.constant 0 : i32
      %dma_start3A_70 = arith.constant 0 : i32
      %dma_start3A_71 = tpu.memref_slice %arg3[%add3A, %dma_start3A_69, %dma_start3A_70] : memref<32x4x32xi32, #tpu.memory_space<hbm>> -> memref<1x4x32xi32, #tpu.memory_space<hbm>>
      %dma_start3A_72 = tpu.memref_squeeze %dma_start3A_71 : memref<1x4x32xi32, #tpu.memory_space<hbm>> -> memref<4x32xi32, #tpu.memory_space<hbm>>
      tpu.enqueue_dma source(%dma_start3A_72 : memref<4x32xi32, #tpu.memory_space<hbm>>) target(%arg5 : memref<4x32xi32, #tpu.memory_space<vmem>>) target_semaphore(%run_scoped3A : memref<!tpu.dma_semaphore, #tpu.memory_space<semaphore_mem>>)
      %dma_wait3A_73 = arith.constant 0 : i32
      %dma_wait3A_74 = arith.constant 0 : i32
      %dma_wait3A_75 = tpu.memref_slice %arg3[%add3A, %dma_wait3A_73, %dma_wait3A_74] : memref<32x4x32xi32, #tpu.memory_space<hbm>> -> memref<1x4x32xi32, #tpu.memory_space<hbm>>
      %dma_wait3A_76 = tpu.memref_squeeze %dma_wait3A_75 : memref<1x4x32xi32, #tpu.memory_space<hbm>> -> memref<4x32xi32, #tpu.memory_space<hbm>>
      %dma_wait3A_77 = arith.constant 0 : i32
      %dma_wait3A_78 = arith.constant 0 : i32
      %dma_wait3A_79 = tpu.memref_slice %arg3[%add3A, %dma_wait3A_77, %dma_wait3A_78] : memref<32x4x32xi32, #tpu.memory_space<hbm>> -> memref<1x4x32xi32, #tpu.memory_space<hbm>>
      %dma_wait3A_80 = tpu.memref_squeeze %dma_wait3A_79 : memref<1x4x32xi32, #tpu.memory_space<hbm>> -> memref<4x32xi32, #tpu.memory_space<hbm>>
      tpu.wait_dma2 semaphore(%run_scoped3A : memref<!tpu.dma_semaphore, #tpu.memory_space<semaphore_mem>>) src(%dma_wait3A_80 : memref<4x32xi32, #tpu.memory_space<hbm>>) dst(%arg5 : memref<4x32xi32, #tpu.memory_space<vmem>>)
      tpu.yield
    }) : () -> ()
    %add3A_3 = arith.constant 0 : i32
    %add3A_4 = arith.addi %mul3A_2, %add3A_3 : i32
    "tpu.region"() ({
      %run_scoped3A = tpu.sem_alloc : memref<!tpu.dma_semaphore, #tpu.memory_space<semaphore_mem>>
      %dma_start3A_65 = arith.constant 0 : i32
      %dma_start3A_66 = tpu.memref_slice %arg2[%add3A_4, %dma_start3A_65] : memref<4096x1024xf32, #tpu.memory_space<hbm>> -> memref<32x1024xf32, #tpu.memory_space<hbm>>
      %dma_start3A_67 = arith.constant 0 : i32
      %dma_start3A_68 = tpu.memref_slice %arg2[%add3A_4, %dma_start3A_67] : memref<4096x1024xf32, #tpu.memory_space<hbm>> -> memref<32x1024xf32, #tpu.memory_space<hbm>>
      tpu.enqueue_dma source(%dma_start3A_68 : memref<32x1024xf32, #tpu.memory_space<hbm>>) target(%arg6 : memref<32x1024xf32, #tpu.memory_space<vmem>>) target_semaphore(%run_scoped3A : memref<!tpu.dma_semaphore, #tpu.memory_space<semaphore_mem>>)
      %dma_wait3A_69 = arith.constant 0 : i32
      %dma_wait3A_70 = tpu.memref_slice %arg2[%add3A_4, %dma_wait3A_69] : memref<4096x1024xf32, #tpu.memory_space<hbm>> -> memref<32x1024xf32, #tpu.memory_space<hbm>>
      %dma_wait3A_71 = arith.constant 0 : i32
      %dma_wait3A_72 = tpu.memref_slice %arg2[%add3A_4, %dma_wait3A_71] : memref<4096x1024xf32, #tpu.memory_space<hbm>> -> memref<32x1024xf32, #tpu.memory_space<hbm>>
      tpu.wait_dma2 semaphore(%run_scoped3A : memref<!tpu.dma_semaphore, #tpu.memory_space<semaphore_mem>>) src(%dma_wait3A_72 : memref<32x1024xf32, #tpu.memory_space<hbm>>) dst(%arg6 : memref<32x1024xf32, #tpu.memory_space<vmem>>)
      tpu.yield
    }) : () -> ()
    %dma_start3A = arith.constant 0 : i32
    %dma_start3A_5 = arith.constant 0 : i32
    %dma_start3A_6 = tpu.memref_slice %arg5[%dma_start3A, %dma_start3A_5] : memref<4x32xi32, #tpu.memory_space<vmem>> -> memref<1x32xi32, #tpu.memory_space<vmem>>
    %dma_start3A_7 = tpu.memref_squeeze %dma_start3A_6 : memref<1x32xi32, #tpu.memory_space<vmem>> -> memref<32xi32, #tpu.memory_space<vmem>>
    %dma_start3A_8 = arith.constant 0 : i32
    %dma_start3A_9 = arith.constant 0 : i32
    %dma_start3A_10 = tpu.memref_slice %arg4[%dma_start3A_8, %dma_start3A_9] : memref<6144x1024xf32, #tpu.memory_space<hbm>> -> memref<6144x1024xf32, #tpu.memory_space<hbm>>
    tpu.enqueue_indirect_dma source(%arg6 : memref<32x1024xf32, #tpu.memory_space<vmem>>) target(%dma_start3A_10 : memref<6144x1024xf32, #tpu.memory_space<hbm>>) offsets(%dma_start3A_7 : memref<32xi32, #tpu.memory_space<vmem>>) semaphore(%arg8 : memref<!tpu.dma_semaphore, #tpu.memory_space<semaphore_mem>>)
    %add3A_11 = arith.constant 32 : i32
    %add3A_12 = arith.addi %mul3A_2, %add3A_11 : i32
    "tpu.region"() ({
      %run_scoped3A = tpu.sem_alloc : memref<!tpu.dma_semaphore, #tpu.memory_space<semaphore_mem>>
      %dma_start3A_65 = arith.constant 0 : i32
      %dma_start3A_66 = tpu.memref_slice %arg2[%add3A_12, %dma_start3A_65] : memref<4096x1024xf32, #tpu.memory_space<hbm>> -> memref<32x1024xf32, #tpu.memory_space<hbm>>
      %dma_start3A_67 = arith.constant 0 : i32
      %dma_start3A_68 = tpu.memref_slice %arg2[%add3A_12, %dma_start3A_67] : memref<4096x1024xf32, #tpu.memory_space<hbm>> -> memref<32x1024xf32, #tpu.memory_space<hbm>>
      tpu.enqueue_dma source(%dma_start3A_68 : memref<32x1024xf32, #tpu.memory_space<hbm>>) target(%arg7 : memref<32x1024xf32, #tpu.memory_space<vmem>>) target_semaphore(%run_scoped3A : memref<!tpu.dma_semaphore, #tpu.memory_space<semaphore_mem>>)
      %dma_wait3A_69 = arith.constant 0 : i32
      %dma_wait3A_70 = tpu.memref_slice %arg2[%add3A_12, %dma_wait3A_69] : memref<4096x1024xf32, #tpu.memory_space<hbm>> -> memref<32x1024xf32, #tpu.memory_space<hbm>>
      %dma_wait3A_71 = arith.constant 0 : i32
      %dma_wait3A_72 = tpu.memref_slice %arg2[%add3A_12, %dma_wait3A_71] : memref<4096x1024xf32, #tpu.memory_space<hbm>> -> memref<32x1024xf32, #tpu.memory_space<hbm>>
      tpu.wait_dma2 semaphore(%run_scoped3A : memref<!tpu.dma_semaphore, #tpu.memory_space<semaphore_mem>>) src(%dma_wait3A_72 : memref<32x1024xf32, #tpu.memory_space<hbm>>) dst(%arg7 : memref<32x1024xf32, #tpu.memory_space<vmem>>)
      tpu.yield
    }) : () -> ()
    %dma_start3A_13 = arith.constant 1 : i32
    %dma_start3A_14 = arith.constant 0 : i32
    %dma_start3A_15 = tpu.memref_slice %arg5[%dma_start3A_13, %dma_start3A_14] : memref<4x32xi32, #tpu.memory_space<vmem>> -> memref<1x32xi32, #tpu.memory_space<vmem>>
    %dma_start3A_16 = tpu.memref_squeeze %dma_start3A_15 : memref<1x32xi32, #tpu.memory_space<vmem>> -> memref<32xi32, #tpu.memory_space<vmem>>
    %dma_start3A_17 = arith.constant 0 : i32
    %dma_start3A_18 = arith.constant 0 : i32
    %dma_start3A_19 = tpu.memref_slice %arg4[%dma_start3A_17, %dma_start3A_18] : memref<6144x1024xf32, #tpu.memory_space<hbm>> -> memref<6144x1024xf32, #tpu.memory_space<hbm>>
    tpu.enqueue_indirect_dma source(%arg7 : memref<32x1024xf32, #tpu.memory_space<vmem>>) target(%dma_start3A_19 : memref<6144x1024xf32, #tpu.memory_space<hbm>>) offsets(%dma_start3A_16 : memref<32xi32, #tpu.memory_space<vmem>>) semaphore(%arg9 : memref<!tpu.dma_semaphore, #tpu.memory_space<semaphore_mem>>)
    %dma_wait3A = arith.constant 0 : i32
    %dma_wait3A_20 = arith.constant 0 : i32
    %dma_wait3A_21 = tpu.memref_slice %arg5[%dma_wait3A, %dma_wait3A_20] : memref<4x32xi32, #tpu.memory_space<vmem>> -> memref<1x32xi32, #tpu.memory_space<vmem>>
    %dma_wait3A_22 = tpu.memref_squeeze %dma_wait3A_21 : memref<1x32xi32, #tpu.memory_space<vmem>> -> memref<32xi32, #tpu.memory_space<vmem>>
    %dma_wait3A_23 = arith.constant 0 : i32
    %dma_wait3A_24 = arith.constant 0 : i32
    %dma_wait3A_25 = tpu.memref_slice %arg4[%dma_wait3A_23, %dma_wait3A_24] : memref<6144x1024xf32, #tpu.memory_space<hbm>> -> memref<6144x1024xf32, #tpu.memory_space<hbm>>
    tpu.wait_indirect_dma semaphore(%arg8 : memref<!tpu.dma_semaphore, #tpu.memory_space<semaphore_mem>>) src(%arg6 : memref<32x1024xf32, #tpu.memory_space<vmem>>) dst(%dma_wait3A_25 : memref<6144x1024xf32, #tpu.memory_space<hbm>>)
    %add3A_26 = arith.constant 64 : i32
    %add3A_27 = arith.addi %mul3A_2, %add3A_26 : i32
    "tpu.region"() ({
      %run_scoped3A = tpu.sem_alloc : memref<!tpu.dma_semaphore, #tpu.memory_space<semaphore_mem>>
      %dma_start3A_65 = arith.constant 0 : i32
      %dma_start3A_66 = tpu.memref_slice %arg2[%add3A_27, %dma_start3A_65] : memref<4096x1024xf32, #tpu.memory_space<hbm>> -> memref<32x1024xf32, #tpu.memory_space<hbm>>
      %dma_start3A_67 = arith.constant 0 : i32
      %dma_start3A_68 = tpu.memref_slice %arg2[%add3A_27, %dma_start3A_67] : memref<4096x1024xf32, #tpu.memory_space<hbm>> -> memref<32x1024xf32, #tpu.memory_space<hbm>>
      tpu.enqueue_dma source(%dma_start3A_68 : memref<32x1024xf32, #tpu.memory_space<hbm>>) target(%arg6 : memref<32x1024xf32, #tpu.memory_space<vmem>>) target_semaphore(%run_scoped3A : memref<!tpu.dma_semaphore, #tpu.memory_space<semaphore_mem>>)
      %dma_wait3A_69 = arith.constant 0 : i32
      %dma_wait3A_70 = tpu.memref_slice %arg2[%add3A_27, %dma_wait3A_69] : memref<4096x1024xf32, #tpu.memory_space<hbm>> -> memref<32x1024xf32, #tpu.memory_space<hbm>>
      %dma_wait3A_71 = arith.constant 0 : i32
      %dma_wait3A_72 = tpu.memref_slice %arg2[%add3A_27, %dma_wait3A_71] : memref<4096x1024xf32, #tpu.memory_space<hbm>> -> memref<32x1024xf32, #tpu.memory_space<hbm>>
      tpu.wait_dma2 semaphore(%run_scoped3A : memref<!tpu.dma_semaphore, #tpu.memory_space<semaphore_mem>>) src(%dma_wait3A_72 : memref<32x1024xf32, #tpu.memory_space<hbm>>) dst(%arg6 : memref<32x1024xf32, #tpu.memory_space<vmem>>)
      tpu.yield
    }) : () -> ()
    %dma_start3A_28 = arith.constant 2 : i32
    %dma_start3A_29 = arith.constant 0 : i32
    %dma_start3A_30 = tpu.memref_slice %arg5[%dma_start3A_28, %dma_start3A_29] : memref<4x32xi32, #tpu.memory_space<vmem>> -> memref<1x32xi32, #tpu.memory_space<vmem>>
    %dma_start3A_31 = tpu.memref_squeeze %dma_start3A_30 : memref<1x32xi32, #tpu.memory_space<vmem>> -> memref<32xi32, #tpu.memory_space<vmem>>
    %dma_start3A_32 = arith.constant 0 : i32
    %dma_start3A_33 = arith.constant 0 : i32
    %dma_start3A_34 = tpu.memref_slice %arg4[%dma_start3A_32, %dma_start3A_33] : memref<6144x1024xf32, #tpu.memory_space<hbm>> -> memref<6144x1024xf32, #tpu.memory_space<hbm>>
    tpu.enqueue_indirect_dma source(%arg6 : memref<32x1024xf32, #tpu.memory_space<vmem>>) target(%dma_start3A_34 : memref<6144x1024xf32, #tpu.memory_space<hbm>>) offsets(%dma_start3A_31 : memref<32xi32, #tpu.memory_space<vmem>>) semaphore(%arg8 : memref<!tpu.dma_semaphore, #tpu.memory_space<semaphore_mem>>)
    %dma_wait3A_35 = arith.constant 1 : i32
    %dma_wait3A_36 = arith.constant 0 : i32
    %dma_wait3A_37 = tpu.memref_slice %arg5[%dma_wait3A_35, %dma_wait3A_36] : memref<4x32xi32, #tpu.memory_space<vmem>> -> memref<1x32xi32, #tpu.memory_space<vmem>>
    %dma_wait3A_38 = tpu.memref_squeeze %dma_wait3A_37 : memref<1x32xi32, #tpu.memory_space<vmem>> -> memref<32xi32, #tpu.memory_space<vmem>>
    %dma_wait3A_39 = arith.constant 0 : i32
    %dma_wait3A_40 = arith.constant 0 : i32
    %dma_wait3A_41 = tpu.memref_slice %arg4[%dma_wait3A_39, %dma_wait3A_40] : memref<6144x1024xf32, #tpu.memory_space<hbm>> -> memref<6144x1024xf32, #tpu.memory_space<hbm>>
    tpu.wait_indirect_dma semaphore(%arg9 : memref<!tpu.dma_semaphore, #tpu.memory_space<semaphore_mem>>) src(%arg7 : memref<32x1024xf32, #tpu.memory_space<vmem>>) dst(%dma_wait3A_41 : memref<6144x1024xf32, #tpu.memory_space<hbm>>)
    %add3A_42 = arith.constant 96 : i32
    %add3A_43 = arith.addi %mul3A_2, %add3A_42 : i32
    "tpu.region"() ({
      %run_scoped3A = tpu.sem_alloc : memref<!tpu.dma_semaphore, #tpu.memory_space<semaphore_mem>>
      %dma_start3A_65 = arith.constant 0 : i32
      %dma_start3A_66 = tpu.memref_slice %arg2[%add3A_43, %dma_start3A_65] : memref<4096x1024xf32, #tpu.memory_space<hbm>> -> memref<32x1024xf32, #tpu.memory_space<hbm>>
      %dma_start3A_67 = arith.constant 0 : i32
      %dma_start3A_68 = tpu.memref_slice %arg2[%add3A_43, %dma_start3A_67] : memref<4096x1024xf32, #tpu.memory_space<hbm>> -> memref<32x1024xf32, #tpu.memory_space<hbm>>
      tpu.enqueue_dma source(%dma_start3A_68 : memref<32x1024xf32, #tpu.memory_space<hbm>>) target(%arg7 : memref<32x1024xf32, #tpu.memory_space<vmem>>) target_semaphore(%run_scoped3A : memref<!tpu.dma_semaphore, #tpu.memory_space<semaphore_mem>>)
      %dma_wait3A_69 = arith.constant 0 : i32
      %dma_wait3A_70 = tpu.memref_slice %arg2[%add3A_43, %dma_wait3A_69] : memref<4096x1024xf32, #tpu.memory_space<hbm>> -> memref<32x1024xf32, #tpu.memory_space<hbm>>
      %dma_wait3A_71 = arith.constant 0 : i32
      %dma_wait3A_72 = tpu.memref_slice %arg2[%add3A_43, %dma_wait3A_71] : memref<4096x1024xf32, #tpu.memory_space<hbm>> -> memref<32x1024xf32, #tpu.memory_space<hbm>>
      tpu.wait_dma2 semaphore(%run_scoped3A : memref<!tpu.dma_semaphore, #tpu.memory_space<semaphore_mem>>) src(%dma_wait3A_72 : memref<32x1024xf32, #tpu.memory_space<hbm>>) dst(%arg7 : memref<32x1024xf32, #tpu.memory_space<vmem>>)
      tpu.yield
    }) : () -> ()
    %dma_start3A_44 = arith.constant 3 : i32
    %dma_start3A_45 = arith.constant 0 : i32
    %dma_start3A_46 = tpu.memref_slice %arg5[%dma_start3A_44, %dma_start3A_45] : memref<4x32xi32, #tpu.memory_space<vmem>> -> memref<1x32xi32, #tpu.memory_space<vmem>>
    %dma_start3A_47 = tpu.memref_squeeze %dma_start3A_46 : memref<1x32xi32, #tpu.memory_space<vmem>> -> memref<32xi32, #tpu.memory_space<vmem>>
    %dma_start3A_48 = arith.constant 0 : i32
    %dma_start3A_49 = arith.constant 0 : i32
    %dma_start3A_50 = tpu.memref_slice %arg4[%dma_start3A_48, %dma_start3A_49] : memref<6144x1024xf32, #tpu.memory_space<hbm>> -> memref<6144x1024xf32, #tpu.memory_space<hbm>>
    tpu.enqueue_indirect_dma source(%arg7 : memref<32x1024xf32, #tpu.memory_space<vmem>>) target(%dma_start3A_50 : memref<6144x1024xf32, #tpu.memory_space<hbm>>) offsets(%dma_start3A_47 : memref<32xi32, #tpu.memory_space<vmem>>) semaphore(%arg9 : memref<!tpu.dma_semaphore, #tpu.memory_space<semaphore_mem>>)
    %dma_wait3A_51 = arith.constant 2 : i32
    %dma_wait3A_52 = arith.constant 0 : i32
    %dma_wait3A_53 = tpu.memref_slice %arg5[%dma_wait3A_51, %dma_wait3A_52] : memref<4x32xi32, #tpu.memory_space<vmem>> -> memref<1x32xi32, #tpu.memory_space<vmem>>
    %dma_wait3A_54 = tpu.memref_squeeze %dma_wait3A_53 : memref<1x32xi32, #tpu.memory_space<vmem>> -> memref<32xi32, #tpu.memory_space<vmem>>
    %dma_wait3A_55 = arith.constant 0 : i32
    %dma_wait3A_56 = arith.constant 0 : i32
    %dma_wait3A_57 = tpu.memref_slice %arg4[%dma_wait3A_55, %dma_wait3A_56] : memref<6144x1024xf32, #tpu.memory_space<hbm>> -> memref<6144x1024xf32, #tpu.memory_space<hbm>>
    tpu.wait_indirect_dma semaphore(%arg8 : memref<!tpu.dma_semaphore, #tpu.memory_space<semaphore_mem>>) src(%arg6 : memref<32x1024xf32, #tpu.memory_space<vmem>>) dst(%dma_wait3A_57 : memref<6144x1024xf32, #tpu.memory_space<hbm>>)
    %dma_wait3A_58 = arith.constant 3 : i32
    %dma_wait3A_59 = arith.constant 0 : i32
    %dma_wait3A_60 = tpu.memref_slice %arg5[%dma_wait3A_58, %dma_wait3A_59] : memref<4x32xi32, #tpu.memory_space<vmem>> -> memref<1x32xi32, #tpu.memory_space<vmem>>
    %dma_wait3A_61 = tpu.memref_squeeze %dma_wait3A_60 : memref<1x32xi32, #tpu.memory_space<vmem>> -> memref<32xi32, #tpu.memory_space<vmem>>
    %dma_wait3A_62 = arith.constant 0 : i32
    %dma_wait3A_63 = arith.constant 0 : i32
    %dma_wait3A_64 = tpu.memref_slice %arg4[%dma_wait3A_62, %dma_wait3A_63] : memref<6144x1024xf32, #tpu.memory_space<hbm>> -> memref<6144x1024xf32, #tpu.memory_space<hbm>>
    tpu.wait_indirect_dma semaphore(%arg9 : memref<!tpu.dma_semaphore, #tpu.memory_space<semaphore_mem>>) src(%arg7 : memref<32x1024xf32, #tpu.memory_space<vmem>>) dst(%dma_wait3A_64 : memref<6144x1024xf32, #tpu.memory_space<hbm>>)
    return
  }
}

#map = affine_map<(d0, d1) -> (0, 0)>
#map1 = affine_map<(d0, d1) -> (0)>
module attributes {stable_mosaic.version = 14 : i64} {
  func.func @gather_kernel(%arg0: i32, %arg1: i32, %arg2: memref<6144x1024xf32, #tpu.memory_space<hbm>>, %arg3: memref<4096xi32, #tpu.memory_space<hbm>>, %arg4: memref<4096x1024xf32, #tpu.memory_space<hbm>>, %arg5: memref<128xi32, #tpu.memory_space<vmem>>, %arg6: memref<32x1024xf32, #tpu.memory_space<vmem>>, %arg7: memref<32x1024xf32, #tpu.memory_space<vmem>>, %arg8: memref<!tpu.dma_semaphore, #tpu.memory_space<semaphore_mem>>, %arg9: memref<!tpu.dma_semaphore, #tpu.memory_space<semaphore_mem>>) attributes {dimension_semantics = [#tpu.dimension_semantics<core_parallel>, #tpu.dimension_semantics<subcore_parallel>], iteration_bounds = array<i64: 2, 16>, scalar_prefetch = 0 : i64, scratch_operands = 5 : i64, tpu.core_type = #tpu.core_type<sc_vector_subcore>, window_params = [{transform_indices = #map}, {transform_indices = #map1}, {transform_indices = #map}]} {
    %mul3A = arith.constant 2 : i32
    %mul3A_0 = arith.muli %arg1, %mul3A : i32
    %add3A = arith.addi %mul3A_0, %arg0 : i32
    %mul3A_1 = arith.constant 128 : i32
    %mul3A_2 = arith.muli %add3A, %mul3A_1 : i32
    "tpu.region"() ({
      %run_scoped3A = tpu.sem_alloc : memref<!tpu.dma_semaphore, #tpu.memory_space<semaphore_mem>>
      %dma_start3A_49 = tpu.memref_slice %arg3[%mul3A_2] : memref<4096xi32, #tpu.memory_space<hbm>> -> memref<128xi32, #tpu.memory_space<hbm>>
      %dma_start3A_50 = tpu.memref_slice %arg3[%mul3A_2] : memref<4096xi32, #tpu.memory_space<hbm>> -> memref<128xi32, #tpu.memory_space<hbm>>
      tpu.enqueue_dma source(%dma_start3A_50 : memref<128xi32, #tpu.memory_space<hbm>>) target(%arg5 : memref<128xi32, #tpu.memory_space<vmem>>) target_semaphore(%run_scoped3A : memref<!tpu.dma_semaphore, #tpu.memory_space<semaphore_mem>>)
      %dma_wait3A_51 = tpu.memref_slice %arg3[%mul3A_2] : memref<4096xi32, #tpu.memory_space<hbm>> -> memref<128xi32, #tpu.memory_space<hbm>>
      %dma_wait3A_52 = tpu.memref_slice %arg3[%mul3A_2] : memref<4096xi32, #tpu.memory_space<hbm>> -> memref<128xi32, #tpu.memory_space<hbm>>
      tpu.wait_dma2 semaphore(%run_scoped3A : memref<!tpu.dma_semaphore, #tpu.memory_space<semaphore_mem>>) src(%dma_wait3A_52 : memref<128xi32, #tpu.memory_space<hbm>>) dst(%arg5 : memref<128xi32, #tpu.memory_space<vmem>>)
      tpu.yield
    }) : () -> ()
    %dma_start3A = arith.constant 0 : i32
    %dma_start3A_3 = tpu.memref_slice %arg5[%dma_start3A] : memref<128xi32, #tpu.memory_space<vmem>> -> memref<32xi32, #tpu.memory_space<vmem>>
    %dma_start3A_4 = arith.constant 0 : i32
    %dma_start3A_5 = arith.constant 0 : i32
    %dma_start3A_6 = tpu.memref_slice %arg2[%dma_start3A_4, %dma_start3A_5] : memref<6144x1024xf32, #tpu.memory_space<hbm>> -> memref<6144x1024xf32, #tpu.memory_space<hbm>>
    tpu.enqueue_indirect_dma source(%dma_start3A_6 : memref<6144x1024xf32, #tpu.memory_space<hbm>>) target(%arg6 : memref<32x1024xf32, #tpu.memory_space<vmem>>) offsets(%dma_start3A_3 : memref<32xi32, #tpu.memory_space<vmem>>) semaphore(%arg8 : memref<!tpu.dma_semaphore, #tpu.memory_space<semaphore_mem>>)
    %dma_start3A_7 = arith.constant 32 : i32
    %dma_start3A_8 = tpu.memref_slice %arg5[%dma_start3A_7] : memref<128xi32, #tpu.memory_space<vmem>> -> memref<32xi32, #tpu.memory_space<vmem>>
    %dma_start3A_9 = arith.constant 0 : i32
    %dma_start3A_10 = arith.constant 0 : i32
    %dma_start3A_11 = tpu.memref_slice %arg2[%dma_start3A_9, %dma_start3A_10] : memref<6144x1024xf32, #tpu.memory_space<hbm>> -> memref<6144x1024xf32, #tpu.memory_space<hbm>>
    tpu.enqueue_indirect_dma source(%dma_start3A_11 : memref<6144x1024xf32, #tpu.memory_space<hbm>>) target(%arg7 : memref<32x1024xf32, #tpu.memory_space<vmem>>) offsets(%dma_start3A_8 : memref<32xi32, #tpu.memory_space<vmem>>) semaphore(%arg9 : memref<!tpu.dma_semaphore, #tpu.memory_space<semaphore_mem>>)
    %dma_wait3A = arith.constant 0 : i32
    %dma_wait3A_12 = tpu.memref_slice %arg5[%dma_wait3A] : memref<128xi32, #tpu.memory_space<vmem>> -> memref<32xi32, #tpu.memory_space<vmem>>
    %dma_wait3A_13 = arith.constant 0 : i32
    %dma_wait3A_14 = arith.constant 0 : i32
    %dma_wait3A_15 = tpu.memref_slice %arg2[%dma_wait3A_13, %dma_wait3A_14] : memref<6144x1024xf32, #tpu.memory_space<hbm>> -> memref<6144x1024xf32, #tpu.memory_space<hbm>>
    tpu.wait_indirect_dma semaphore(%arg8 : memref<!tpu.dma_semaphore, #tpu.memory_space<semaphore_mem>>) src(%dma_wait3A_15 : memref<6144x1024xf32, #tpu.memory_space<hbm>>) dst(%arg6 : memref<32x1024xf32, #tpu.memory_space<vmem>>)
    %add3A_16 = arith.constant 0 : i32
    %add3A_17 = arith.addi %mul3A_2, %add3A_16 : i32
    "tpu.region"() ({
      %run_scoped3A = tpu.sem_alloc : memref<!tpu.dma_semaphore, #tpu.memory_space<semaphore_mem>>
      %dma_start3A_49 = arith.constant 0 : i32
      %dma_start3A_50 = tpu.memref_slice %arg4[%add3A_17, %dma_start3A_49] : memref<4096x1024xf32, #tpu.memory_space<hbm>> -> memref<32x1024xf32, #tpu.memory_space<hbm>>
      %dma_start3A_51 = arith.constant 0 : i32
      %dma_start3A_52 = tpu.memref_slice %arg4[%add3A_17, %dma_start3A_51] : memref<4096x1024xf32, #tpu.memory_space<hbm>> -> memref<32x1024xf32, #tpu.memory_space<hbm>>
      tpu.enqueue_dma source(%arg6 : memref<32x1024xf32, #tpu.memory_space<vmem>>) target(%dma_start3A_52 : memref<32x1024xf32, #tpu.memory_space<hbm>>) target_semaphore(%run_scoped3A : memref<!tpu.dma_semaphore, #tpu.memory_space<semaphore_mem>>)
      %dma_wait3A_53 = arith.constant 0 : i32
      %dma_wait3A_54 = tpu.memref_slice %arg4[%add3A_17, %dma_wait3A_53] : memref<4096x1024xf32, #tpu.memory_space<hbm>> -> memref<32x1024xf32, #tpu.memory_space<hbm>>
      %dma_wait3A_55 = arith.constant 0 : i32
      %dma_wait3A_56 = tpu.memref_slice %arg4[%add3A_17, %dma_wait3A_55] : memref<4096x1024xf32, #tpu.memory_space<hbm>> -> memref<32x1024xf32, #tpu.memory_space<hbm>>
      tpu.wait_dma2 semaphore(%run_scoped3A : memref<!tpu.dma_semaphore, #tpu.memory_space<semaphore_mem>>) src(%arg6 : memref<32x1024xf32, #tpu.memory_space<vmem>>) dst(%dma_wait3A_56 : memref<32x1024xf32, #tpu.memory_space<hbm>>)
      tpu.yield
    }) : () -> ()
    %dma_start3A_18 = arith.constant 64 : i32
    %dma_start3A_19 = tpu.memref_slice %arg5[%dma_start3A_18] : memref<128xi32, #tpu.memory_space<vmem>> -> memref<32xi32, #tpu.memory_space<vmem>>
    %dma_start3A_20 = arith.constant 0 : i32
    %dma_start3A_21 = arith.constant 0 : i32
    %dma_start3A_22 = tpu.memref_slice %arg2[%dma_start3A_20, %dma_start3A_21] : memref<6144x1024xf32, #tpu.memory_space<hbm>> -> memref<6144x1024xf32, #tpu.memory_space<hbm>>
    tpu.enqueue_indirect_dma source(%dma_start3A_22 : memref<6144x1024xf32, #tpu.memory_space<hbm>>) target(%arg6 : memref<32x1024xf32, #tpu.memory_space<vmem>>) offsets(%dma_start3A_19 : memref<32xi32, #tpu.memory_space<vmem>>) semaphore(%arg8 : memref<!tpu.dma_semaphore, #tpu.memory_space<semaphore_mem>>)
    %dma_wait3A_23 = arith.constant 32 : i32
    %dma_wait3A_24 = tpu.memref_slice %arg5[%dma_wait3A_23] : memref<128xi32, #tpu.memory_space<vmem>> -> memref<32xi32, #tpu.memory_space<vmem>>
    %dma_wait3A_25 = arith.constant 0 : i32
    %dma_wait3A_26 = arith.constant 0 : i32
    %dma_wait3A_27 = tpu.memref_slice %arg2[%dma_wait3A_25, %dma_wait3A_26] : memref<6144x1024xf32, #tpu.memory_space<hbm>> -> memref<6144x1024xf32, #tpu.memory_space<hbm>>
    tpu.wait_indirect_dma semaphore(%arg9 : memref<!tpu.dma_semaphore, #tpu.memory_space<semaphore_mem>>) src(%dma_wait3A_27 : memref<6144x1024xf32, #tpu.memory_space<hbm>>) dst(%arg7 : memref<32x1024xf32, #tpu.memory_space<vmem>>)
    %add3A_28 = arith.constant 32 : i32
    %add3A_29 = arith.addi %mul3A_2, %add3A_28 : i32
    "tpu.region"() ({
      %run_scoped3A = tpu.sem_alloc : memref<!tpu.dma_semaphore, #tpu.memory_space<semaphore_mem>>
      %dma_start3A_49 = arith.constant 0 : i32
      %dma_start3A_50 = tpu.memref_slice %arg4[%add3A_29, %dma_start3A_49] : memref<4096x1024xf32, #tpu.memory_space<hbm>> -> memref<32x1024xf32, #tpu.memory_space<hbm>>
      %dma_start3A_51 = arith.constant 0 : i32
      %dma_start3A_52 = tpu.memref_slice %arg4[%add3A_29, %dma_start3A_51] : memref<4096x1024xf32, #tpu.memory_space<hbm>> -> memref<32x1024xf32, #tpu.memory_space<hbm>>
      tpu.enqueue_dma source(%arg7 : memref<32x1024xf32, #tpu.memory_space<vmem>>) target(%dma_start3A_52 : memref<32x1024xf32, #tpu.memory_space<hbm>>) target_semaphore(%run_scoped3A : memref<!tpu.dma_semaphore, #tpu.memory_space<semaphore_mem>>)
      %dma_wait3A_53 = arith.constant 0 : i32
      %dma_wait3A_54 = tpu.memref_slice %arg4[%add3A_29, %dma_wait3A_53] : memref<4096x1024xf32, #tpu.memory_space<hbm>> -> memref<32x1024xf32, #tpu.memory_space<hbm>>
      %dma_wait3A_55 = arith.constant 0 : i32
      %dma_wait3A_56 = tpu.memref_slice %arg4[%add3A_29, %dma_wait3A_55] : memref<4096x1024xf32, #tpu.memory_space<hbm>> -> memref<32x1024xf32, #tpu.memory_space<hbm>>
      tpu.wait_dma2 semaphore(%run_scoped3A : memref<!tpu.dma_semaphore, #tpu.memory_space<semaphore_mem>>) src(%arg7 : memref<32x1024xf32, #tpu.memory_space<vmem>>) dst(%dma_wait3A_56 : memref<32x1024xf32, #tpu.memory_space<hbm>>)
      tpu.yield
    }) : () -> ()
    %dma_start3A_30 = arith.constant 96 : i32
    %dma_start3A_31 = tpu.memref_slice %arg5[%dma_start3A_30] : memref<128xi32, #tpu.memory_space<vmem>> -> memref<32xi32, #tpu.memory_space<vmem>>
    %dma_start3A_32 = arith.constant 0 : i32
    %dma_start3A_33 = arith.constant 0 : i32
    %dma_start3A_34 = tpu.memref_slice %arg2[%dma_start3A_32, %dma_start3A_33] : memref<6144x1024xf32, #tpu.memory_space<hbm>> -> memref<6144x1024xf32, #tpu.memory_space<hbm>>
    tpu.enqueue_indirect_dma source(%dma_start3A_34 : memref<6144x1024xf32, #tpu.memory_space<hbm>>) target(%arg7 : memref<32x1024xf32, #tpu.memory_space<vmem>>) offsets(%dma_start3A_31 : memref<32xi32, #tpu.memory_space<vmem>>) semaphore(%arg9 : memref<!tpu.dma_semaphore, #tpu.memory_space<semaphore_mem>>)
    %dma_wait3A_35 = arith.constant 64 : i32
    %dma_wait3A_36 = tpu.memref_slice %arg5[%dma_wait3A_35] : memref<128xi32, #tpu.memory_space<vmem>> -> memref<32xi32, #tpu.memory_space<vmem>>
    %dma_wait3A_37 = arith.constant 0 : i32
    %dma_wait3A_38 = arith.constant 0 : i32
    %dma_wait3A_39 = tpu.memref_slice %arg2[%dma_wait3A_37, %dma_wait3A_38] : memref<6144x1024xf32, #tpu.memory_space<hbm>> -> memref<6144x1024xf32, #tpu.memory_space<hbm>>
    tpu.wait_indirect_dma semaphore(%arg8 : memref<!tpu.dma_semaphore, #tpu.memory_space<semaphore_mem>>) src(%dma_wait3A_39 : memref<6144x1024xf32, #tpu.memory_space<hbm>>) dst(%arg6 : memref<32x1024xf32, #tpu.memory_space<vmem>>)
    %add3A_40 = arith.constant 64 : i32
    %add3A_41 = arith.addi %mul3A_2, %add3A_40 : i32
    "tpu.region"() ({
      %run_scoped3A = tpu.sem_alloc : memref<!tpu.dma_semaphore, #tpu.memory_space<semaphore_mem>>
      %dma_start3A_49 = arith.constant 0 : i32
      %dma_start3A_50 = tpu.memref_slice %arg4[%add3A_41, %dma_start3A_49] : memref<4096x1024xf32, #tpu.memory_space<hbm>> -> memref<32x1024xf32, #tpu.memory_space<hbm>>
      %dma_start3A_51 = arith.constant 0 : i32
      %dma_start3A_52 = tpu.memref_slice %arg4[%add3A_41, %dma_start3A_51] : memref<4096x1024xf32, #tpu.memory_space<hbm>> -> memref<32x1024xf32, #tpu.memory_space<hbm>>
      tpu.enqueue_dma source(%arg6 : memref<32x1024xf32, #tpu.memory_space<vmem>>) target(%dma_start3A_52 : memref<32x1024xf32, #tpu.memory_space<hbm>>) target_semaphore(%run_scoped3A : memref<!tpu.dma_semaphore, #tpu.memory_space<semaphore_mem>>)
      %dma_wait3A_53 = arith.constant 0 : i32
      %dma_wait3A_54 = tpu.memref_slice %arg4[%add3A_41, %dma_wait3A_53] : memref<4096x1024xf32, #tpu.memory_space<hbm>> -> memref<32x1024xf32, #tpu.memory_space<hbm>>
      %dma_wait3A_55 = arith.constant 0 : i32
      %dma_wait3A_56 = tpu.memref_slice %arg4[%add3A_41, %dma_wait3A_55] : memref<4096x1024xf32, #tpu.memory_space<hbm>> -> memref<32x1024xf32, #tpu.memory_space<hbm>>
      tpu.wait_dma2 semaphore(%run_scoped3A : memref<!tpu.dma_semaphore, #tpu.memory_space<semaphore_mem>>) src(%arg6 : memref<32x1024xf32, #tpu.memory_space<vmem>>) dst(%dma_wait3A_56 : memref<32x1024xf32, #tpu.memory_space<hbm>>)
      tpu.yield
    }) : () -> ()
    %dma_wait3A_42 = arith.constant 96 : i32
    %dma_wait3A_43 = tpu.memref_slice %arg5[%dma_wait3A_42] : memref<128xi32, #tpu.memory_space<vmem>> -> memref<32xi32, #tpu.memory_space<vmem>>
    %dma_wait3A_44 = arith.constant 0 : i32
    %dma_wait3A_45 = arith.constant 0 : i32
    %dma_wait3A_46 = tpu.memref_slice %arg2[%dma_wait3A_44, %dma_wait3A_45] : memref<6144x1024xf32, #tpu.memory_space<hbm>> -> memref<6144x1024xf32, #tpu.memory_space<hbm>>
    tpu.wait_indirect_dma semaphore(%arg9 : memref<!tpu.dma_semaphore, #tpu.memory_space<semaphore_mem>>) src(%dma_wait3A_46 : memref<6144x1024xf32, #tpu.memory_space<hbm>>) dst(%arg7 : memref<32x1024xf32, #tpu.memory_space<vmem>>)
    %add3A_47 = arith.constant 96 : i32
    %add3A_48 = arith.addi %mul3A_2, %add3A_47 : i32
    "tpu.region"() ({
      %run_scoped3A = tpu.sem_alloc : memref<!tpu.dma_semaphore, #tpu.memory_space<semaphore_mem>>
      %dma_start3A_49 = arith.constant 0 : i32
      %dma_start3A_50 = tpu.memref_slice %arg4[%add3A_48, %dma_start3A_49] : memref<4096x1024xf32, #tpu.memory_space<hbm>> -> memref<32x1024xf32, #tpu.memory_space<hbm>>
      %dma_start3A_51 = arith.constant 0 : i32
      %dma_start3A_52 = tpu.memref_slice %arg4[%add3A_48, %dma_start3A_51] : memref<4096x1024xf32, #tpu.memory_space<hbm>> -> memref<32x1024xf32, #tpu.memory_space<hbm>>
      tpu.enqueue_dma source(%arg7 : memref<32x1024xf32, #tpu.memory_space<vmem>>) target(%dma_start3A_52 : memref<32x1024xf32, #tpu.memory_space<hbm>>) target_semaphore(%run_scoped3A : memref<!tpu.dma_semaphore, #tpu.memory_space<semaphore_mem>>)
      %dma_wait3A_53 = arith.constant 0 : i32
      %dma_wait3A_54 = tpu.memref_slice %arg4[%add3A_48, %dma_wait3A_53] : memref<4096x1024xf32, #tpu.memory_space<hbm>> -> memref<32x1024xf32, #tpu.memory_space<hbm>>
      %dma_wait3A_55 = arith.constant 0 : i32
      %dma_wait3A_56 = tpu.memref_slice %arg4[%add3A_48, %dma_wait3A_55] : memref<4096x1024xf32, #tpu.memory_space<hbm>> -> memref<32x1024xf32, #tpu.memory_space<hbm>>
      tpu.wait_dma2 semaphore(%run_scoped3A : memref<!tpu.dma_semaphore, #tpu.memory_space<semaphore_mem>>) src(%arg7 : memref<32x1024xf32, #tpu.memory_space<vmem>>) dst(%dma_wait3A_56 : memref<32x1024xf32, #tpu.memory_space<hbm>>)
      tpu.yield
    }) : () -> ()
    return
  }
}

module attributes {stable_mosaic.version = 14 : i64} {
  func.func @_route_body(%arg0: memref<32x128xi32, #tpu.memory_space<vmem>>, %arg1: memref<32x128xi32, #tpu.memory_space<vmem>>, %arg2: memref<8x128xi32, #tpu.memory_space<vmem>>) attributes {dimension_semantics = [], scalar_prefetch = 0 : i64, scratch_operands = 0 : i64, tpu.core_type = #tpu.core_type<tc>} {
    %get3A = arith.constant 0 : index
    %get3A_0 = arith.constant 0 : index
    %get3A_1 = vector.load %arg0[%get3A, %get3A_0] : memref<32x128xi32, #tpu.memory_space<vmem>>, vector<32x128xi32>
    %iota3A = tpu.iota {dimensions = array<i32: 0>} : vector<128x128xi32>
    %iota3A_2 = tpu.iota {dimensions = array<i32: 1>} : vector<128x128xi32>
    %le3A = arith.cmpi sle, %iota3A, %iota3A_2 : vector<128x128xi32>
    %convert_element_type3A = arith.extui %le3A : vector<128x128xi1> to vector<128x128xi32>
    %convert_element_type3A_3 = arith.sitofp %convert_element_type3A : vector<128x128xi32> to vector<128x128xf32>
    %convert_element_type3A_4 = arith.truncf %convert_element_type3A_3 : vector<128x128xf32> to vector<128x128xbf16>
    %iota3A_5 = tpu.iota {dimensions = array<i32: 0>} : vector<32x32xi32>
    %iota3A_6 = tpu.iota {dimensions = array<i32: 1>} : vector<32x32xi32>
    %lt3A = arith.cmpi slt, %iota3A_6, %iota3A_5 : vector<32x32xi32>
    %convert_element_type3A_7 = arith.extui %lt3A : vector<32x32xi1> to vector<32x32xi32>
    %convert_element_type3A_8 = arith.sitofp %convert_element_type3A_7 : vector<32x32xi32> to vector<32x32xf32>
    %convert_element_type3A_9 = arith.truncf %convert_element_type3A_8 : vector<32x32xf32> to vector<32x32xbf16>
    %broadcast_in_dim3A = arith.constant 1.000000e+00 : bf16
    %broadcast_in_dim3A_10 = vector.broadcast %broadcast_in_dim3A : bf16 to vector<128x1xbf16>
    %broadcast_in_dim3A_11 = arith.constant 0.000000e+00 : f32
    %broadcast_in_dim3A_12 = vector.broadcast %broadcast_in_dim3A_11 : f32 to vector<32x128xf32>
    %eq3A = arith.constant 0 : i32
    %eq3A_13 = vector.broadcast %eq3A : i32 to vector<32x128xi32>
    %eq3A_14 = arith.cmpi eq, %get3A_1, %eq3A_13 : vector<32x128xi32>
    %convert_element_type3A_15 = arith.extui %eq3A_14 : vector<32x128xi1> to vector<32x128xi32>
    %convert_element_type3A_16 = arith.sitofp %convert_element_type3A_15 : vector<32x128xi32> to vector<32x128xf32>
    %convert_element_type3A_17 = arith.truncf %convert_element_type3A_16 : vector<32x128xf32> to vector<32x128xbf16>
    %dot_general3A = arith.constant dense<0.000000e+00> : vector<32x128xf32>
    %dot_general3A_18 = tpu.matmul %convert_element_type3A_17, %convert_element_type3A_4, %dot_general3A {dimension_numbers = #tpu.dot_dimension_numbers<[1], [0], [0], [1], [0, 0, 1, 1], [], []>, transpose_lhs_hint = false} : vector<32x128xbf16>, vector<128x128xbf16>, vector<32x128xf32> -> vector<32x128xf32>
    %dot_general3A_19 = arith.constant dense<0.000000e+00> : vector<32x1xf32>
    %dot_general3A_20 = tpu.matmul %convert_element_type3A_17, %broadcast_in_dim3A_10, %dot_general3A_19 {dimension_numbers = #tpu.dot_dimension_numbers<[1], [0], [0], [1], [0, 0, 1, 1], [], []>, transpose_lhs_hint = false} : vector<32x128xbf16>, vector<128x1xbf16>, vector<32x1xf32> -> vector<32x1xf32>
    %convert_element_type3A_21 = arith.truncf %dot_general3A_20 : vector<32x1xf32> to vector<32x1xbf16>
    %dot_general3A_22 = arith.constant dense<0.000000e+00> : vector<32x1xf32>
    %dot_general3A_23 = tpu.matmul %convert_element_type3A_9, %convert_element_type3A_21, %dot_general3A_22 {dimension_numbers = #tpu.dot_dimension_numbers<[1], [0], [0], [1], [0, 0, 1, 1], [], []>, transpose_lhs_hint = false} : vector<32x32xbf16>, vector<32x1xbf16>, vector<32x1xf32> -> vector<32x1xf32>
    %add3A = vector.broadcast %dot_general3A_23 : vector<32x1xf32> to vector<32x128xf32>
    %add3A_24 = arith.addf %dot_general3A_18, %add3A : vector<32x128xf32>
    %reduce_sum3A = vector.shape_cast %dot_general3A_20 : vector<32x1xf32> to vector<1x32x1xf32>
    %reduce_sum3A_25 = arith.constant dense<0.000000e+00> : vector<1xf32>
    %reduce_sum3A_26 = vector.multi_reduction <add>, %reduce_sum3A, %reduce_sum3A_25 [1, 2] : vector<1x32x1xf32> to vector<1xf32>
    %reduce_sum3A_27 = vector.shape_cast %reduce_sum3A_26 : vector<1xf32> to vector<1x1x1xf32>
    %reduce_sum3A_28 = vector.extract %reduce_sum3A_27[0, 0, 0] : f32 from vector<1x1x1xf32>
    %add3A_29 = arith.constant 2.550000e+02 : f32
    %add3A_30 = arith.addf %reduce_sum3A_28, %add3A_29 : f32
    %mul3A = arith.constant 3.906250e-03 : f32
    %mul3A_31 = arith.mulf %add3A_30, %mul3A : f32
    %floor3A = math.floor %mul3A_31 : f32
    %mul3A_32 = arith.constant 2.560000e+02 : f32
    %mul3A_33 = arith.mulf %floor3A, %mul3A_32 : f32
    %convert_element_type3A_34 = arith.extf %convert_element_type3A_17 : vector<32x128xbf16> to vector<32x128xf32>
    %add3A_35 = arith.constant -1.000000e+00 : f32
    %add3A_36 = vector.broadcast %add3A_35 : f32 to vector<32x128xf32>
    %add3A_37 = arith.addf %add3A_36, %add3A_24 : vector<32x128xf32>
    %mul3A_38 = arith.mulf %convert_element_type3A_34, %add3A_37 : vector<32x128xf32>
    %add3A_39 = arith.addf %broadcast_in_dim3A_12, %mul3A_38 : vector<32x128xf32>
    %add3A_40 = arith.constant 0.000000e+00 : f32
    %add3A_41 = arith.addf %add3A_40, %mul3A_33 : f32
    %mul3A_42 = arith.constant 3.906250e-03 : f32
    %mul3A_43 = arith.mulf %add3A_41, %mul3A_42 : f32
    %gt3A = arith.constant 5.000000e-01 : f32
    %gt3A_44 = arith.cmpf ogt, %reduce_sum3A_28, %gt3A : f32
    %eq3A_45 = arith.constant 1 : i32
    %eq3A_46 = vector.broadcast %eq3A_45 : i32 to vector<32x128xi32>
    %eq3A_47 = arith.cmpi eq, %get3A_1, %eq3A_46 : vector<32x128xi32>
    %convert_element_type3A_48 = arith.extui %eq3A_47 : vector<32x128xi1> to vector<32x128xi32>
    %convert_element_type3A_49 = arith.sitofp %convert_element_type3A_48 : vector<32x128xi32> to vector<32x128xf32>
    %convert_element_type3A_50 = arith.truncf %convert_element_type3A_49 : vector<32x128xf32> to vector<32x128xbf16>
    %dot_general3A_51 = arith.constant dense<0.000000e+00> : vector<32x128xf32>
    %dot_general3A_52 = tpu.matmul %convert_element_type3A_50, %convert_element_type3A_4, %dot_general3A_51 {dimension_numbers = #tpu.dot_dimension_numbers<[1], [0], [0], [1], [0, 0, 1, 1], [], []>, transpose_lhs_hint = false} : vector<32x128xbf16>, vector<128x128xbf16>, vector<32x128xf32> -> vector<32x128xf32>
    %dot_general3A_53 = arith.constant dense<0.000000e+00> : vector<32x1xf32>
    %dot_general3A_54 = tpu.matmul %convert_element_type3A_50, %broadcast_in_dim3A_10, %dot_general3A_53 {dimension_numbers = #tpu.dot_dimension_numbers<[1], [0], [0], [1], [0, 0, 1, 1], [], []>, transpose_lhs_hint = false} : vector<32x128xbf16>, vector<128x1xbf16>, vector<32x1xf32> -> vector<32x1xf32>
    %convert_element_type3A_55 = arith.truncf %dot_general3A_54 : vector<32x1xf32> to vector<32x1xbf16>
    %dot_general3A_56 = arith.constant dense<0.000000e+00> : vector<32x1xf32>
    %dot_general3A_57 = tpu.matmul %convert_element_type3A_9, %convert_element_type3A_55, %dot_general3A_56 {dimension_numbers = #tpu.dot_dimension_numbers<[1], [0], [0], [1], [0, 0, 1, 1], [], []>, transpose_lhs_hint = false} : vector<32x32xbf16>, vector<32x1xbf16>, vector<32x1xf32> -> vector<32x1xf32>
    %add3A_58 = vector.broadcast %dot_general3A_57 : vector<32x1xf32> to vector<32x128xf32>
    %add3A_59 = arith.addf %dot_general3A_52, %add3A_58 : vector<32x128xf32>
    %reduce_sum3A_60 = vector.shape_cast %dot_general3A_54 : vector<32x1xf32> to vector<1x32x1xf32>
    %reduce_sum3A_61 = arith.constant dense<0.000000e+00> : vector<1xf32>
    %reduce_sum3A_62 = vector.multi_reduction <add>, %reduce_sum3A_60, %reduce_sum3A_61 [1, 2] : vector<1x32x1xf32> to vector<1xf32>
    %reduce_sum3A_63 = vector.shape_cast %reduce_sum3A_62 : vector<1xf32> to vector<1x1x1xf32>
    %reduce_sum3A_64 = vector.extract %reduce_sum3A_63[0, 0, 0] : f32 from vector<1x1x1xf32>
    %add3A_65 = arith.constant 2.550000e+02 : f32
    %add3A_66 = arith.addf %reduce_sum3A_64, %add3A_65 : f32
    %mul3A_67 = arith.constant 3.906250e-03 : f32
    %mul3A_68 = arith.mulf %add3A_66, %mul3A_67 : f32
    %floor3A_69 = math.floor %mul3A_68 : f32
    %mul3A_70 = arith.constant 2.560000e+02 : f32
    %mul3A_71 = arith.mulf %floor3A_69, %mul3A_70 : f32
    %convert_element_type3A_72 = arith.extf %convert_element_type3A_50 : vector<32x128xbf16> to vector<32x128xf32>
    %sub3A = arith.constant 1.000000e+00 : f32
    %sub3A_73 = arith.subf %add3A_41, %sub3A : f32
    %add3A_74 = vector.broadcast %sub3A_73 : f32 to vector<32x128xf32>
    %add3A_75 = arith.addf %add3A_74, %add3A_59 : vector<32x128xf32>
    %mul3A_76 = arith.mulf %convert_element_type3A_72, %add3A_75 : vector<32x128xf32>
    %add3A_77 = arith.addf %add3A_39, %mul3A_76 : vector<32x128xf32>
    %add3A_78 = arith.addf %add3A_41, %mul3A_71 : f32
    %mul3A_79 = arith.constant 3.906250e-03 : f32
    %mul3A_80 = arith.mulf %add3A_78, %mul3A_79 : f32
    %gt3A_81 = arith.constant 5.000000e-01 : f32
    %gt3A_82 = arith.cmpf ogt, %reduce_sum3A_64, %gt3A_81 : f32
    %eq3A_83 = arith.constant 2 : i32
    %eq3A_84 = vector.broadcast %eq3A_83 : i32 to vector<32x128xi32>
    %eq3A_85 = arith.cmpi eq, %get3A_1, %eq3A_84 : vector<32x128xi32>
    %convert_element_type3A_86 = arith.extui %eq3A_85 : vector<32x128xi1> to vector<32x128xi32>
    %convert_element_type3A_87 = arith.sitofp %convert_element_type3A_86 : vector<32x128xi32> to vector<32x128xf32>
    %convert_element_type3A_88 = arith.truncf %convert_element_type3A_87 : vector<32x128xf32> to vector<32x128xbf16>
    %dot_general3A_89 = arith.constant dense<0.000000e+00> : vector<32x128xf32>
    %dot_general3A_90 = tpu.matmul %convert_element_type3A_88, %convert_element_type3A_4, %dot_general3A_89 {dimension_numbers = #tpu.dot_dimension_numbers<[1], [0], [0], [1], [0, 0, 1, 1], [], []>, transpose_lhs_hint = false} : vector<32x128xbf16>, vector<128x128xbf16>, vector<32x128xf32> -> vector<32x128xf32>
    %dot_general3A_91 = arith.constant dense<0.000000e+00> : vector<32x1xf32>
    %dot_general3A_92 = tpu.matmul %convert_element_type3A_88, %broadcast_in_dim3A_10, %dot_general3A_91 {dimension_numbers = #tpu.dot_dimension_numbers<[1], [0], [0], [1], [0, 0, 1, 1], [], []>, transpose_lhs_hint = false} : vector<32x128xbf16>, vector<128x1xbf16>, vector<32x1xf32> -> vector<32x1xf32>
    %convert_element_type3A_93 = arith.truncf %dot_general3A_92 : vector<32x1xf32> to vector<32x1xbf16>
    %dot_general3A_94 = arith.constant dense<0.000000e+00> : vector<32x1xf32>
    %dot_general3A_95 = tpu.matmul %convert_element_type3A_9, %convert_element_type3A_93, %dot_general3A_94 {dimension_numbers = #tpu.dot_dimension_numbers<[1], [0], [0], [1], [0, 0, 1, 1], [], []>, transpose_lhs_hint = false} : vector<32x32xbf16>, vector<32x1xbf16>, vector<32x1xf32> -> vector<32x1xf32>
    %add3A_96 = vector.broadcast %dot_general3A_95 : vector<32x1xf32> to vector<32x128xf32>
    %add3A_97 = arith.addf %dot_general3A_90, %add3A_96 : vector<32x128xf32>
    %reduce_sum3A_98 = vector.shape_cast %dot_general3A_92 : vector<32x1xf32> to vector<1x32x1xf32>
    %reduce_sum3A_99 = arith.constant dense<0.000000e+00> : vector<1xf32>
    %reduce_sum3A_100 = vector.multi_reduction <add>, %reduce_sum3A_98, %reduce_sum3A_99 [1, 2] : vector<1x32x1xf32> to vector<1xf32>
    %reduce_sum3A_101 = vector.shape_cast %reduce_sum3A_100 : vector<1xf32> to vector<1x1x1xf32>
    %reduce_sum3A_102 = vector.extract %reduce_sum3A_101[0, 0, 0] : f32 from vector<1x1x1xf32>
    %add3A_103 = arith.constant 2.550000e+02 : f32
    %add3A_104 = arith.addf %reduce_sum3A_102, %add3A_103 : f32
    %mul3A_105 = arith.constant 3.906250e-03 : f32
    %mul3A_106 = arith.mulf %add3A_104, %mul3A_105 : f32
    %floor3A_107 = math.floor %mul3A_106 : f32
    %mul3A_108 = arith.constant 2.560000e+02 : f32
    %mul3A_109 = arith.mulf %floor3A_107, %mul3A_108 : f32
    %convert_element_type3A_110 = arith.extf %convert_element_type3A_88 : vector<32x128xbf16> to vector<32x128xf32>
    %sub3A_111 = arith.constant 1.000000e+00 : f32
    %sub3A_112 = arith.subf %add3A_78, %sub3A_111 : f32
    %add3A_113 = vector.broadcast %sub3A_112 : f32 to vector<32x128xf32>
    %add3A_114 = arith.addf %add3A_113, %add3A_97 : vector<32x128xf32>
    %mul3A_115 = arith.mulf %convert_element_type3A_110, %add3A_114 : vector<32x128xf32>
    %add3A_116 = arith.addf %add3A_77, %mul3A_115 : vector<32x128xf32>
    %add3A_117 = arith.addf %add3A_78, %mul3A_109 : f32
    %mul3A_118 = arith.constant 3.906250e-03 : f32
    %mul3A_119 = arith.mulf %add3A_117, %mul3A_118 : f32
    %gt3A_120 = arith.constant 5.000000e-01 : f32
    %gt3A_121 = arith.cmpf ogt, %reduce_sum3A_102, %gt3A_120 : f32
    %eq3A_122 = arith.constant 3 : i32
    %eq3A_123 = vector.broadcast %eq3A_122 : i32 to vector<32x128xi32>
    %eq3A_124 = arith.cmpi eq, %get3A_1, %eq3A_123 : vector<32x128xi32>
    %convert_element_type3A_125 = arith.extui %eq3A_124 : vector<32x128xi1> to vector<32x128xi32>
    %convert_element_type3A_126 = arith.sitofp %convert_element_type3A_125 : vector<32x128xi32> to vector<32x128xf32>
    %convert_element_type3A_127 = arith.truncf %convert_element_type3A_126 : vector<32x128xf32> to vector<32x128xbf16>
    %dot_general3A_128 = arith.constant dense<0.000000e+00> : vector<32x128xf32>
    %dot_general3A_129 = tpu.matmul %convert_element_type3A_127, %convert_element_type3A_4, %dot_general3A_128 {dimension_numbers = #tpu.dot_dimension_numbers<[1], [0], [0], [1], [0, 0, 1, 1], [], []>, transpose_lhs_hint = false} : vector<32x128xbf16>, vector<128x128xbf16>, vector<32x128xf32> -> vector<32x128xf32>
    %dot_general3A_130 = arith.constant dense<0.000000e+00> : vector<32x1xf32>
    %dot_general3A_131 = tpu.matmul %convert_element_type3A_127, %broadcast_in_dim3A_10, %dot_general3A_130 {dimension_numbers = #tpu.dot_dimension_numbers<[1], [0], [0], [1], [0, 0, 1, 1], [], []>, transpose_lhs_hint = false} : vector<32x128xbf16>, vector<128x1xbf16>, vector<32x1xf32> -> vector<32x1xf32>
    %convert_element_type3A_132 = arith.truncf %dot_general3A_131 : vector<32x1xf32> to vector<32x1xbf16>
    %dot_general3A_133 = arith.constant dense<0.000000e+00> : vector<32x1xf32>
    %dot_general3A_134 = tpu.matmul %convert_element_type3A_9, %convert_element_type3A_132, %dot_general3A_133 {dimension_numbers = #tpu.dot_dimension_numbers<[1], [0], [0], [1], [0, 0, 1, 1], [], []>, transpose_lhs_hint = false} : vector<32x32xbf16>, vector<32x1xbf16>, vector<32x1xf32> -> vector<32x1xf32>
    %add3A_135 = vector.broadcast %dot_general3A_134 : vector<32x1xf32> to vector<32x128xf32>
    %add3A_136 = arith.addf %dot_general3A_129, %add3A_135 : vector<32x128xf32>
    %reduce_sum3A_137 = vector.shape_cast %dot_general3A_131 : vector<32x1xf32> to vector<1x32x1xf32>
    %reduce_sum3A_138 = arith.constant dense<0.000000e+00> : vector<1xf32>
    %reduce_sum3A_139 = vector.multi_reduction <add>, %reduce_sum3A_137, %reduce_sum3A_138 [1, 2] : vector<1x32x1xf32> to vector<1xf32>
    %reduce_sum3A_140 = vector.shape_cast %reduce_sum3A_139 : vector<1xf32> to vector<1x1x1xf32>
    %reduce_sum3A_141 = vector.extract %reduce_sum3A_140[0, 0, 0] : f32 from vector<1x1x1xf32>
    %add3A_142 = arith.constant 2.550000e+02 : f32
    %add3A_143 = arith.addf %reduce_sum3A_141, %add3A_142 : f32
    %mul3A_144 = arith.constant 3.906250e-03 : f32
    %mul3A_145 = arith.mulf %add3A_143, %mul3A_144 : f32
    %floor3A_146 = math.floor %mul3A_145 : f32
    %mul3A_147 = arith.constant 2.560000e+02 : f32
    %mul3A_148 = arith.mulf %floor3A_146, %mul3A_147 : f32
    %convert_element_type3A_149 = arith.extf %convert_element_type3A_127 : vector<32x128xbf16> to vector<32x128xf32>
    %sub3A_150 = arith.constant 1.000000e+00 : f32
    %sub3A_151 = arith.subf %add3A_117, %sub3A_150 : f32
    %add3A_152 = vector.broadcast %sub3A_151 : f32 to vector<32x128xf32>
    %add3A_153 = arith.addf %add3A_152, %add3A_136 : vector<32x128xf32>
    %mul3A_154 = arith.mulf %convert_element_type3A_149, %add3A_153 : vector<32x128xf32>
    %add3A_155 = arith.addf %add3A_116, %mul3A_154 : vector<32x128xf32>
    %add3A_156 = arith.addf %add3A_117, %mul3A_148 : f32
    %mul3A_157 = arith.constant 3.906250e-03 : f32
    %mul3A_158 = arith.mulf %add3A_156, %mul3A_157 : f32
    %gt3A_159 = arith.constant 5.000000e-01 : f32
    %gt3A_160 = arith.cmpf ogt, %reduce_sum3A_141, %gt3A_159 : f32
    %eq3A_161 = arith.constant 4 : i32
    %eq3A_162 = vector.broadcast %eq3A_161 : i32 to vector<32x128xi32>
    %eq3A_163 = arith.cmpi eq, %get3A_1, %eq3A_162 : vector<32x128xi32>
    %convert_element_type3A_164 = arith.extui %eq3A_163 : vector<32x128xi1> to vector<32x128xi32>
    %convert_element_type3A_165 = arith.sitofp %convert_element_type3A_164 : vector<32x128xi32> to vector<32x128xf32>
    %convert_element_type3A_166 = arith.truncf %convert_element_type3A_165 : vector<32x128xf32> to vector<32x128xbf16>
    %dot_general3A_167 = arith.constant dense<0.000000e+00> : vector<32x128xf32>
    %dot_general3A_168 = tpu.matmul %convert_element_type3A_166, %convert_element_type3A_4, %dot_general3A_167 {dimension_numbers = #tpu.dot_dimension_numbers<[1], [0], [0], [1], [0, 0, 1, 1], [], []>, transpose_lhs_hint = false} : vector<32x128xbf16>, vector<128x128xbf16>, vector<32x128xf32> -> vector<32x128xf32>
    %dot_general3A_169 = arith.constant dense<0.000000e+00> : vector<32x1xf32>
    %dot_general3A_170 = tpu.matmul %convert_element_type3A_166, %broadcast_in_dim3A_10, %dot_general3A_169 {dimension_numbers = #tpu.dot_dimension_numbers<[1], [0], [0], [1], [0, 0, 1, 1], [], []>, transpose_lhs_hint = false} : vector<32x128xbf16>, vector<128x1xbf16>, vector<32x1xf32> -> vector<32x1xf32>
    %convert_element_type3A_171 = arith.truncf %dot_general3A_170 : vector<32x1xf32> to vector<32x1xbf16>
    %dot_general3A_172 = arith.constant dense<0.000000e+00> : vector<32x1xf32>
    %dot_general3A_173 = tpu.matmul %convert_element_type3A_9, %convert_element_type3A_171, %dot_general3A_172 {dimension_numbers = #tpu.dot_dimension_numbers<[1], [0], [0], [1], [0, 0, 1, 1], [], []>, transpose_lhs_hint = false} : vector<32x32xbf16>, vector<32x1xbf16>, vector<32x1xf32> -> vector<32x1xf32>
    %add3A_174 = vector.broadcast %dot_general3A_173 : vector<32x1xf32> to vector<32x128xf32>
    %add3A_175 = arith.addf %dot_general3A_168, %add3A_174 : vector<32x128xf32>
    %reduce_sum3A_176 = vector.shape_cast %dot_general3A_170 : vector<32x1xf32> to vector<1x32x1xf32>
    %reduce_sum3A_177 = arith.constant dense<0.000000e+00> : vector<1xf32>
    %reduce_sum3A_178 = vector.multi_reduction <add>, %reduce_sum3A_176, %reduce_sum3A_177 [1, 2] : vector<1x32x1xf32> to vector<1xf32>
    %reduce_sum3A_179 = vector.shape_cast %reduce_sum3A_178 : vector<1xf32> to vector<1x1x1xf32>
    %reduce_sum3A_180 = vector.extract %reduce_sum3A_179[0, 0, 0] : f32 from vector<1x1x1xf32>
    %add3A_181 = arith.constant 2.550000e+02 : f32
    %add3A_182 = arith.addf %reduce_sum3A_180, %add3A_181 : f32
    %mul3A_183 = arith.constant 3.906250e-03 : f32
    %mul3A_184 = arith.mulf %add3A_182, %mul3A_183 : f32
    %floor3A_185 = math.floor %mul3A_184 : f32
    %mul3A_186 = arith.constant 2.560000e+02 : f32
    %mul3A_187 = arith.mulf %floor3A_185, %mul3A_186 : f32
    %convert_element_type3A_188 = arith.extf %convert_element_type3A_166 : vector<32x128xbf16> to vector<32x128xf32>
    %sub3A_189 = arith.constant 1.000000e+00 : f32
    %sub3A_190 = arith.subf %add3A_156, %sub3A_189 : f32
    %add3A_191 = vector.broadcast %sub3A_190 : f32 to vector<32x128xf32>
    %add3A_192 = arith.addf %add3A_191, %add3A_175 : vector<32x128xf32>
    %mul3A_193 = arith.mulf %convert_element_type3A_188, %add3A_192 : vector<32x128xf32>
    %add3A_194 = arith.addf %add3A_155, %mul3A_193 : vector<32x128xf32>
    %add3A_195 = arith.addf %add3A_156, %mul3A_187 : f32
    %mul3A_196 = arith.constant 3.906250e-03 : f32
    %mul3A_197 = arith.mulf %add3A_195, %mul3A_196 : f32
    %gt3A_198 = arith.constant 5.000000e-01 : f32
    %gt3A_199 = arith.cmpf ogt, %reduce_sum3A_180, %gt3A_198 : f32
    %eq3A_200 = arith.constant 5 : i32
    %eq3A_201 = vector.broadcast %eq3A_200 : i32 to vector<32x128xi32>
    %eq3A_202 = arith.cmpi eq, %get3A_1, %eq3A_201 : vector<32x128xi32>
    %convert_element_type3A_203 = arith.extui %eq3A_202 : vector<32x128xi1> to vector<32x128xi32>
    %convert_element_type3A_204 = arith.sitofp %convert_element_type3A_203 : vector<32x128xi32> to vector<32x128xf32>
    %convert_element_type3A_205 = arith.truncf %convert_element_type3A_204 : vector<32x128xf32> to vector<32x128xbf16>
    %dot_general3A_206 = arith.constant dense<0.000000e+00> : vector<32x128xf32>
    %dot_general3A_207 = tpu.matmul %convert_element_type3A_205, %convert_element_type3A_4, %dot_general3A_206 {dimension_numbers = #tpu.dot_dimension_numbers<[1], [0], [0], [1], [0, 0, 1, 1], [], []>, transpose_lhs_hint = false} : vector<32x128xbf16>, vector<128x128xbf16>, vector<32x128xf32> -> vector<32x128xf32>
    %dot_general3A_208 = arith.constant dense<0.000000e+00> : vector<32x1xf32>
    %dot_general3A_209 = tpu.matmul %convert_element_type3A_205, %broadcast_in_dim3A_10, %dot_general3A_208 {dimension_numbers = #tpu.dot_dimension_numbers<[1], [0], [0], [1], [0, 0, 1, 1], [], []>, transpose_lhs_hint = false} : vector<32x128xbf16>, vector<128x1xbf16>, vector<32x1xf32> -> vector<32x1xf32>
    %convert_element_type3A_210 = arith.truncf %dot_general3A_209 : vector<32x1xf32> to vector<32x1xbf16>
    %dot_general3A_211 = arith.constant dense<0.000000e+00> : vector<32x1xf32>
    %dot_general3A_212 = tpu.matmul %convert_element_type3A_9, %convert_element_type3A_210, %dot_general3A_211 {dimension_numbers = #tpu.dot_dimension_numbers<[1], [0], [0], [1], [0, 0, 1, 1], [], []>, transpose_lhs_hint = false} : vector<32x32xbf16>, vector<32x1xbf16>, vector<32x1xf32> -> vector<32x1xf32>
    %add3A_213 = vector.broadcast %dot_general3A_212 : vector<32x1xf32> to vector<32x128xf32>
    %add3A_214 = arith.addf %dot_general3A_207, %add3A_213 : vector<32x128xf32>
    %reduce_sum3A_215 = vector.shape_cast %dot_general3A_209 : vector<32x1xf32> to vector<1x32x1xf32>
    %reduce_sum3A_216 = arith.constant dense<0.000000e+00> : vector<1xf32>
    %reduce_sum3A_217 = vector.multi_reduction <add>, %reduce_sum3A_215, %reduce_sum3A_216 [1, 2] : vector<1x32x1xf32> to vector<1xf32>
    %reduce_sum3A_218 = vector.shape_cast %reduce_sum3A_217 : vector<1xf32> to vector<1x1x1xf32>
    %reduce_sum3A_219 = vector.extract %reduce_sum3A_218[0, 0, 0] : f32 from vector<1x1x1xf32>
    %add3A_220 = arith.constant 2.550000e+02 : f32
    %add3A_221 = arith.addf %reduce_sum3A_219, %add3A_220 : f32
    %mul3A_222 = arith.constant 3.906250e-03 : f32
    %mul3A_223 = arith.mulf %add3A_221, %mul3A_222 : f32
    %floor3A_224 = math.floor %mul3A_223 : f32
    %mul3A_225 = arith.constant 2.560000e+02 : f32
    %mul3A_226 = arith.mulf %floor3A_224, %mul3A_225 : f32
    %convert_element_type3A_227 = arith.extf %convert_element_type3A_205 : vector<32x128xbf16> to vector<32x128xf32>
    %sub3A_228 = arith.constant 1.000000e+00 : f32
    %sub3A_229 = arith.subf %add3A_195, %sub3A_228 : f32
    %add3A_230 = vector.broadcast %sub3A_229 : f32 to vector<32x128xf32>
    %add3A_231 = arith.addf %add3A_230, %add3A_214 : vector<32x128xf32>
    %mul3A_232 = arith.mulf %convert_element_type3A_227, %add3A_231 : vector<32x128xf32>
    %add3A_233 = arith.addf %add3A_194, %mul3A_232 : vector<32x128xf32>
    %add3A_234 = arith.addf %add3A_195, %mul3A_226 : f32
    %mul3A_235 = arith.constant 3.906250e-03 : f32
    %mul3A_236 = arith.mulf %add3A_234, %mul3A_235 : f32
    %gt3A_237 = arith.constant 5.000000e-01 : f32
    %gt3A_238 = arith.cmpf ogt, %reduce_sum3A_219, %gt3A_237 : f32
    %eq3A_239 = arith.constant 6 : i32
    %eq3A_240 = vector.broadcast %eq3A_239 : i32 to vector<32x128xi32>
    %eq3A_241 = arith.cmpi eq, %get3A_1, %eq3A_240 : vector<32x128xi32>
    %convert_element_type3A_242 = arith.extui %eq3A_241 : vector<32x128xi1> to vector<32x128xi32>
    %convert_element_type3A_243 = arith.sitofp %convert_element_type3A_242 : vector<32x128xi32> to vector<32x128xf32>
    %convert_element_type3A_244 = arith.truncf %convert_element_type3A_243 : vector<32x128xf32> to vector<32x128xbf16>
    %dot_general3A_245 = arith.constant dense<0.000000e+00> : vector<32x128xf32>
    %dot_general3A_246 = tpu.matmul %convert_element_type3A_244, %convert_element_type3A_4, %dot_general3A_245 {dimension_numbers = #tpu.dot_dimension_numbers<[1], [0], [0], [1], [0, 0, 1, 1], [], []>, transpose_lhs_hint = false} : vector<32x128xbf16>, vector<128x128xbf16>, vector<32x128xf32> -> vector<32x128xf32>
    %dot_general3A_247 = arith.constant dense<0.000000e+00> : vector<32x1xf32>
    %dot_general3A_248 = tpu.matmul %convert_element_type3A_244, %broadcast_in_dim3A_10, %dot_general3A_247 {dimension_numbers = #tpu.dot_dimension_numbers<[1], [0], [0], [1], [0, 0, 1, 1], [], []>, transpose_lhs_hint = false} : vector<32x128xbf16>, vector<128x1xbf16>, vector<32x1xf32> -> vector<32x1xf32>
    %convert_element_type3A_249 = arith.truncf %dot_general3A_248 : vector<32x1xf32> to vector<32x1xbf16>
    %dot_general3A_250 = arith.constant dense<0.000000e+00> : vector<32x1xf32>
    %dot_general3A_251 = tpu.matmul %convert_element_type3A_9, %convert_element_type3A_249, %dot_general3A_250 {dimension_numbers = #tpu.dot_dimension_numbers<[1], [0], [0], [1], [0, 0, 1, 1], [], []>, transpose_lhs_hint = false} : vector<32x32xbf16>, vector<32x1xbf16>, vector<32x1xf32> -> vector<32x1xf32>
    %add3A_252 = vector.broadcast %dot_general3A_251 : vector<32x1xf32> to vector<32x128xf32>
    %add3A_253 = arith.addf %dot_general3A_246, %add3A_252 : vector<32x128xf32>
    %reduce_sum3A_254 = vector.shape_cast %dot_general3A_248 : vector<32x1xf32> to vector<1x32x1xf32>
    %reduce_sum3A_255 = arith.constant dense<0.000000e+00> : vector<1xf32>
    %reduce_sum3A_256 = vector.multi_reduction <add>, %reduce_sum3A_254, %reduce_sum3A_255 [1, 2] : vector<1x32x1xf32> to vector<1xf32>
    %reduce_sum3A_257 = vector.shape_cast %reduce_sum3A_256 : vector<1xf32> to vector<1x1x1xf32>
    %reduce_sum3A_258 = vector.extract %reduce_sum3A_257[0, 0, 0] : f32 from vector<1x1x1xf32>
    %add3A_259 = arith.constant 2.550000e+02 : f32
    %add3A_260 = arith.addf %reduce_sum3A_258, %add3A_259 : f32
    %mul3A_261 = arith.constant 3.906250e-03 : f32
    %mul3A_262 = arith.mulf %add3A_260, %mul3A_261 : f32
    %floor3A_263 = math.floor %mul3A_262 : f32
    %mul3A_264 = arith.constant 2.560000e+02 : f32
    %mul3A_265 = arith.mulf %floor3A_263, %mul3A_264 : f32
    %convert_element_type3A_266 = arith.extf %convert_element_type3A_244 : vector<32x128xbf16> to vector<32x128xf32>
    %sub3A_267 = arith.constant 1.000000e+00 : f32
    %sub3A_268 = arith.subf %add3A_234, %sub3A_267 : f32
    %add3A_269 = vector.broadcast %sub3A_268 : f32 to vector<32x128xf32>
    %add3A_270 = arith.addf %add3A_269, %add3A_253 : vector<32x128xf32>
    %mul3A_271 = arith.mulf %convert_element_type3A_266, %add3A_270 : vector<32x128xf32>
    %add3A_272 = arith.addf %add3A_233, %mul3A_271 : vector<32x128xf32>
    %add3A_273 = arith.addf %add3A_234, %mul3A_265 : f32
    %mul3A_274 = arith.constant 3.906250e-03 : f32
    %mul3A_275 = arith.mulf %add3A_273, %mul3A_274 : f32
    %gt3A_276 = arith.constant 5.000000e-01 : f32
    %gt3A_277 = arith.cmpf ogt, %reduce_sum3A_258, %gt3A_276 : f32
    %eq3A_278 = arith.constant 7 : i32
    %eq3A_279 = vector.broadcast %eq3A_278 : i32 to vector<32x128xi32>
    %eq3A_280 = arith.cmpi eq, %get3A_1, %eq3A_279 : vector<32x128xi32>
    %convert_element_type3A_281 = arith.extui %eq3A_280 : vector<32x128xi1> to vector<32x128xi32>
    %convert_element_type3A_282 = arith.sitofp %convert_element_type3A_281 : vector<32x128xi32> to vector<32x128xf32>
    %convert_element_type3A_283 = arith.truncf %convert_element_type3A_282 : vector<32x128xf32> to vector<32x128xbf16>
    %dot_general3A_284 = arith.constant dense<0.000000e+00> : vector<32x128xf32>
    %dot_general3A_285 = tpu.matmul %convert_element_type3A_283, %convert_element_type3A_4, %dot_general3A_284 {dimension_numbers = #tpu.dot_dimension_numbers<[1], [0], [0], [1], [0, 0, 1, 1], [], []>, transpose_lhs_hint = false} : vector<32x128xbf16>, vector<128x128xbf16>, vector<32x128xf32> -> vector<32x128xf32>
    %dot_general3A_286 = arith.constant dense<0.000000e+00> : vector<32x1xf32>
    %dot_general3A_287 = tpu.matmul %convert_element_type3A_283, %broadcast_in_dim3A_10, %dot_general3A_286 {dimension_numbers = #tpu.dot_dimension_numbers<[1], [0], [0], [1], [0, 0, 1, 1], [], []>, transpose_lhs_hint = false} : vector<32x128xbf16>, vector<128x1xbf16>, vector<32x1xf32> -> vector<32x1xf32>
    %convert_element_type3A_288 = arith.truncf %dot_general3A_287 : vector<32x1xf32> to vector<32x1xbf16>
    %dot_general3A_289 = arith.constant dense<0.000000e+00> : vector<32x1xf32>
    %dot_general3A_290 = tpu.matmul %convert_element_type3A_9, %convert_element_type3A_288, %dot_general3A_289 {dimension_numbers = #tpu.dot_dimension_numbers<[1], [0], [0], [1], [0, 0, 1, 1], [], []>, transpose_lhs_hint = false} : vector<32x32xbf16>, vector<32x1xbf16>, vector<32x1xf32> -> vector<32x1xf32>
    %add3A_291 = vector.broadcast %dot_general3A_290 : vector<32x1xf32> to vector<32x128xf32>
    %add3A_292 = arith.addf %dot_general3A_285, %add3A_291 : vector<32x128xf32>
    %reduce_sum3A_293 = vector.shape_cast %dot_general3A_287 : vector<32x1xf32> to vector<1x32x1xf32>
    %reduce_sum3A_294 = arith.constant dense<0.000000e+00> : vector<1xf32>
    %reduce_sum3A_295 = vector.multi_reduction <add>, %reduce_sum3A_293, %reduce_sum3A_294 [1, 2] : vector<1x32x1xf32> to vector<1xf32>
    %reduce_sum3A_296 = vector.shape_cast %reduce_sum3A_295 : vector<1xf32> to vector<1x1x1xf32>
    %reduce_sum3A_297 = vector.extract %reduce_sum3A_296[0, 0, 0] : f32 from vector<1x1x1xf32>
    %add3A_298 = arith.constant 2.550000e+02 : f32
    %add3A_299 = arith.addf %reduce_sum3A_297, %add3A_298 : f32
    %mul3A_300 = arith.constant 3.906250e-03 : f32
    %mul3A_301 = arith.mulf %add3A_299, %mul3A_300 : f32
    %floor3A_302 = math.floor %mul3A_301 : f32
    %mul3A_303 = arith.constant 2.560000e+02 : f32
    %mul3A_304 = arith.mulf %floor3A_302, %mul3A_303 : f32
    %convert_element_type3A_305 = arith.extf %convert_element_type3A_283 : vector<32x128xbf16> to vector<32x128xf32>
    %sub3A_306 = arith.constant 1.000000e+00 : f32
    %sub3A_307 = arith.subf %add3A_273, %sub3A_306 : f32
    %add3A_308 = vector.broadcast %sub3A_307 : f32 to vector<32x128xf32>
    %add3A_309 = arith.addf %add3A_308, %add3A_292 : vector<32x128xf32>
    %mul3A_310 = arith.mulf %convert_element_type3A_305, %add3A_309 : vector<32x128xf32>
    %add3A_311 = arith.addf %add3A_272, %mul3A_310 : vector<32x128xf32>
    %add3A_312 = arith.addf %add3A_273, %mul3A_304 : f32
    %mul3A_313 = arith.constant 3.906250e-03 : f32
    %mul3A_314 = arith.mulf %add3A_312, %mul3A_313 : f32
    %gt3A_315 = arith.constant 5.000000e-01 : f32
    %gt3A_316 = arith.cmpf ogt, %reduce_sum3A_297, %gt3A_315 : f32
    %convert_element_type3A_317 = arith.fptosi %add3A_311 : vector<32x128xf32> to vector<32x128xi32>
    %swap3A = arith.constant 0 : index
    %swap3A_318 = arith.constant 0 : index
    %swap3A_319 = vector.load %arg1[%swap3A, %swap3A_318] : memref<32x128xi32, #tpu.memory_space<vmem>>, vector<32x128xi32>
    tpu.vector_store %arg1[%swap3A, %swap3A_318], %convert_element_type3A_317 {strides = array<i32>} : memref<32x128xi32, #tpu.memory_space<vmem>>, vector<32x128xi32>,
    %iota3A_320 = tpu.iota {dimensions = array<i32: 1>} : vector<8x128xi32>
    %convert_element_type3A_321 = arith.sitofp %iota3A_320 : vector<8x128xi32> to vector<8x128xf32>
    %broadcast_in_dim3A_322 = arith.constant 0.000000e+00 : f32
    %broadcast_in_dim3A_323 = vector.broadcast %broadcast_in_dim3A_322 : f32 to vector<8x128xf32>
    %ge3A = vector.broadcast %mul3A_43 : f32 to vector<8x128xf32>
    %ge3A_324 = arith.cmpf oge, %convert_element_type3A_321, %ge3A : vector<8x128xf32>
    %convert_element_type3A_325 = arith.extui %ge3A_324 : vector<8x128xi1> to vector<8x128xi32>
    %convert_element_type3A_326 = arith.sitofp %convert_element_type3A_325 : vector<8x128xi32> to vector<8x128xf32>
    %add3A_327 = arith.addf %broadcast_in_dim3A_323, %convert_element_type3A_326 : vector<8x128xf32>
    %ge3A_328 = vector.broadcast %mul3A_80 : f32 to vector<8x128xf32>
    %ge3A_329 = arith.cmpf oge, %convert_element_type3A_321, %ge3A_328 : vector<8x128xf32>
    %convert_element_type3A_330 = arith.extui %ge3A_329 : vector<8x128xi1> to vector<8x128xi32>
    %convert_element_type3A_331 = arith.sitofp %convert_element_type3A_330 : vector<8x128xi32> to vector<8x128xf32>
    %add3A_332 = arith.addf %add3A_327, %convert_element_type3A_331 : vector<8x128xf32>
    %ge3A_333 = vector.broadcast %mul3A_119 : f32 to vector<8x128xf32>
    %ge3A_334 = arith.cmpf oge, %convert_element_type3A_321, %ge3A_333 : vector<8x128xf32>
    %convert_element_type3A_335 = arith.extui %ge3A_334 : vector<8x128xi1> to vector<8x128xi32>
    %convert_element_type3A_336 = arith.sitofp %convert_element_type3A_335 : vector<8x128xi32> to vector<8x128xf32>
    %add3A_337 = arith.addf %add3A_332, %convert_element_type3A_336 : vector<8x128xf32>
    %ge3A_338 = vector.broadcast %mul3A_158 : f32 to vector<8x128xf32>
    %ge3A_339 = arith.cmpf oge, %convert_element_type3A_321, %ge3A_338 : vector<8x128xf32>
    %convert_element_type3A_340 = arith.extui %ge3A_339 : vector<8x128xi1> to vector<8x128xi32>
    %convert_element_type3A_341 = arith.sitofp %convert_element_type3A_340 : vector<8x128xi32> to vector<8x128xf32>
    %add3A_342 = arith.addf %add3A_337, %convert_element_type3A_341 : vector<8x128xf32>
    %ge3A_343 = vector.broadcast %mul3A_197 : f32 to vector<8x128xf32>
    %ge3A_344 = arith.cmpf oge, %convert_element_type3A_321, %ge3A_343 : vector<8x128xf32>
    %convert_element_type3A_345 = arith.extui %ge3A_344 : vector<8x128xi1> to vector<8x128xi32>
    %convert_element_type3A_346 = arith.sitofp %convert_element_type3A_345 : vector<8x128xi32> to vector<8x128xf32>
    %add3A_347 = arith.addf %add3A_342, %convert_element_type3A_346 : vector<8x128xf32>
    %ge3A_348 = vector.broadcast %mul3A_236 : f32 to vector<8x128xf32>
    %ge3A_349 = arith.cmpf oge, %convert_element_type3A_321, %ge3A_348 : vector<8x128xf32>
    %convert_element_type3A_350 = arith.extui %ge3A_349 : vector<8x128xi1> to vector<8x128xi32>
    %convert_element_type3A_351 = arith.sitofp %convert_element_type3A_350 : vector<8x128xi32> to vector<8x128xf32>
    %add3A_352 = arith.addf %add3A_347, %convert_element_type3A_351 : vector<8x128xf32>
    %ge3A_353 = vector.broadcast %mul3A_275 : f32 to vector<8x128xf32>
    %ge3A_354 = arith.cmpf oge, %convert_element_type3A_321, %ge3A_353 : vector<8x128xf32>
    %convert_element_type3A_355 = arith.extui %ge3A_354 : vector<8x128xi1> to vector<8x128xi32>
    %convert_element_type3A_356 = arith.sitofp %convert_element_type3A_355 : vector<8x128xi32> to vector<8x128xf32>
    %add3A_357 = arith.addf %add3A_352, %convert_element_type3A_356 : vector<8x128xf32>
    %ge3A_358 = vector.broadcast %mul3A_314 : f32 to vector<8x128xf32>
    %ge3A_359 = arith.cmpf oge, %convert_element_type3A_321, %ge3A_358 : vector<8x128xf32>
    %convert_element_type3A_360 = arith.extui %ge3A_359 : vector<8x128xi1> to vector<8x128xi32>
    %convert_element_type3A_361 = arith.sitofp %convert_element_type3A_360 : vector<8x128xi32> to vector<8x128xf32>
    %add3A_362 = arith.addf %add3A_357, %convert_element_type3A_361 : vector<8x128xf32>
    %min3A = arith.constant 7.000000e+00 : f32
    %min3A_363 = vector.broadcast %min3A : f32 to vector<8x128xf32>
    %min3A_364 = arith.minimumf %add3A_362, %min3A_363 : vector<8x128xf32>
    %broadcast_in_dim3A_365 = arith.constant 8.000000e+00 : f32
    %broadcast_in_dim3A_366 = vector.broadcast %broadcast_in_dim3A_365 : f32 to vector<8x128xf32>
    %lt3A_367 = arith.constant 7.000000e+00 : f32
    %lt3A_368 = vector.broadcast %lt3A_367 : f32 to vector<8x128xf32>
    %lt3A_369 = arith.cmpf olt, %min3A_364, %lt3A_368 : vector<8x128xf32>
    %and3A = vector.broadcast %gt3A_316 : i1 to vector<8x128xi1>
    %and3A_370 = arith.andi %lt3A_369, %and3A : vector<8x128xi1>
    %jit3A = arith.constant 7.000000e+00 : f32
    %broadcast_in_dim3A_371 = vector.broadcast %jit3A : f32 to vector<8x128xf32>
    %select_n3A = arith.select %and3A_370, %broadcast_in_dim3A_371, %broadcast_in_dim3A_366 : vector<8x128xi1>, vector<8x128xf32>
    %lt3A_372 = arith.constant 6.000000e+00 : f32
    %lt3A_373 = vector.broadcast %lt3A_372 : f32 to vector<8x128xf32>
    %lt3A_374 = arith.cmpf olt, %min3A_364, %lt3A_373 : vector<8x128xf32>
    %and3A_375 = vector.broadcast %gt3A_277 : i1 to vector<8x128xi1>
    %and3A_376 = arith.andi %lt3A_374, %and3A_375 : vector<8x128xi1>
    %jit3A_377 = arith.constant 6.000000e+00 : f32
    %broadcast_in_dim3A_378 = vector.broadcast %jit3A_377 : f32 to vector<8x128xf32>
    %select_n3A_379 = arith.select %and3A_376, %broadcast_in_dim3A_378, %select_n3A : vector<8x128xi1>, vector<8x128xf32>
    %lt3A_380 = arith.constant 5.000000e+00 : f32
    %lt3A_381 = vector.broadcast %lt3A_380 : f32 to vector<8x128xf32>
    %lt3A_382 = arith.cmpf olt, %min3A_364, %lt3A_381 : vector<8x128xf32>
    %and3A_383 = vector.broadcast %gt3A_238 : i1 to vector<8x128xi1>
    %and3A_384 = arith.andi %lt3A_382, %and3A_383 : vector<8x128xi1>
    %jit3A_385 = arith.constant 5.000000e+00 : f32
    %broadcast_in_dim3A_386 = vector.broadcast %jit3A_385 : f32 to vector<8x128xf32>
    %select_n3A_387 = arith.select %and3A_384, %broadcast_in_dim3A_386, %select_n3A_379 : vector<8x128xi1>, vector<8x128xf32>
    %lt3A_388 = arith.constant 4.000000e+00 : f32
    %lt3A_389 = vector.broadcast %lt3A_388 : f32 to vector<8x128xf32>
    %lt3A_390 = arith.cmpf olt, %min3A_364, %lt3A_389 : vector<8x128xf32>
    %and3A_391 = vector.broadcast %gt3A_199 : i1 to vector<8x128xi1>
    %and3A_392 = arith.andi %lt3A_390, %and3A_391 : vector<8x128xi1>
    %jit3A_393 = arith.constant 4.000000e+00 : f32
    %broadcast_in_dim3A_394 = vector.broadcast %jit3A_393 : f32 to vector<8x128xf32>
    %select_n3A_395 = arith.select %and3A_392, %broadcast_in_dim3A_394, %select_n3A_387 : vector<8x128xi1>, vector<8x128xf32>
    %lt3A_396 = arith.constant 3.000000e+00 : f32
    %lt3A_397 = vector.broadcast %lt3A_396 : f32 to vector<8x128xf32>
    %lt3A_398 = arith.cmpf olt, %min3A_364, %lt3A_397 : vector<8x128xf32>
    %and3A_399 = vector.broadcast %gt3A_160 : i1 to vector<8x128xi1>
    %and3A_400 = arith.andi %lt3A_398, %and3A_399 : vector<8x128xi1>
    %jit3A_401 = arith.constant 3.000000e+00 : f32
    %broadcast_in_dim3A_402 = vector.broadcast %jit3A_401 : f32 to vector<8x128xf32>
    %select_n3A_403 = arith.select %and3A_400, %broadcast_in_dim3A_402, %select_n3A_395 : vector<8x128xi1>, vector<8x128xf32>
    %lt3A_404 = arith.constant 2.000000e+00 : f32
    %lt3A_405 = vector.broadcast %lt3A_404 : f32 to vector<8x128xf32>
    %lt3A_406 = arith.cmpf olt, %min3A_364, %lt3A_405 : vector<8x128xf32>
    %and3A_407 = vector.broadcast %gt3A_121 : i1 to vector<8x128xi1>
    %and3A_408 = arith.andi %lt3A_406, %and3A_407 : vector<8x128xi1>
    %jit3A_409 = arith.constant 2.000000e+00 : f32
    %broadcast_in_dim3A_410 = vector.broadcast %jit3A_409 : f32 to vector<8x128xf32>
    %select_n3A_411 = arith.select %and3A_408, %broadcast_in_dim3A_410, %select_n3A_403 : vector<8x128xi1>, vector<8x128xf32>
    %lt3A_412 = arith.constant 1.000000e+00 : f32
    %lt3A_413 = vector.broadcast %lt3A_412 : f32 to vector<8x128xf32>
    %lt3A_414 = arith.cmpf olt, %min3A_364, %lt3A_413 : vector<8x128xf32>
    %and3A_415 = vector.broadcast %gt3A_82 : i1 to vector<8x128xi1>
    %and3A_416 = arith.andi %lt3A_414, %and3A_415 : vector<8x128xi1>
    %jit3A_417 = arith.constant 1.000000e+00 : f32
    %broadcast_in_dim3A_418 = vector.broadcast %jit3A_417 : f32 to vector<8x128xf32>
    %select_n3A_419 = arith.select %and3A_416, %broadcast_in_dim3A_418, %select_n3A_411 : vector<8x128xi1>, vector<8x128xf32>
    %lt3A_420 = arith.constant 0.000000e+00 : f32
    %lt3A_421 = vector.broadcast %lt3A_420 : f32 to vector<8x128xf32>
    %lt3A_422 = arith.cmpf olt, %min3A_364, %lt3A_421 : vector<8x128xf32>
    %and3A_423 = vector.broadcast %gt3A_44 : i1 to vector<8x128xi1>
    %and3A_424 = arith.andi %lt3A_422, %and3A_423 : vector<8x128xi1>
    %jit3A_425 = arith.constant 0.000000e+00 : f32
    %broadcast_in_dim3A_426 = vector.broadcast %jit3A_425 : f32 to vector<8x128xf32>
    %select_n3A_427 = arith.select %and3A_424, %broadcast_in_dim3A_426, %select_n3A_419 : vector<8x128xi1>, vector<8x128xf32>
    %broadcast_in_dim3A_428 = arith.constant 0.000000e+00 : f32
    %broadcast_in_dim3A_429 = vector.broadcast %broadcast_in_dim3A_428 : f32 to vector<8x128xf32>
    %gt3A_430 = arith.constant 0.000000e+00 : f32
    %gt3A_431 = vector.broadcast %gt3A_430 : f32 to vector<8x128xf32>
    %gt3A_432 = arith.cmpf ogt, %min3A_364, %gt3A_431 : vector<8x128xf32>
    %and3A_433 = vector.broadcast %gt3A_44 : i1 to vector<8x128xi1>
    %and3A_434 = arith.andi %gt3A_432, %and3A_433 : vector<8x128xi1>
    %jit3A_435 = arith.constant 1.000000e+00 : f32
    %jit3A_436 = arith.constant 0.000000e+00 : f32
    %broadcast_in_dim3A_437 = vector.broadcast %jit3A_435 : f32 to vector<8x128xf32>
    %broadcast_in_dim3A_438 = vector.broadcast %jit3A_436 : f32 to vector<8x128xf32>
    %select_n3A_439 = arith.select %and3A_434, %broadcast_in_dim3A_437, %broadcast_in_dim3A_438 : vector<8x128xi1>, vector<8x128xf32>
    %add3A_440 = arith.addf %broadcast_in_dim3A_429, %select_n3A_439 : vector<8x128xf32>
    %gt3A_441 = arith.constant 1.000000e+00 : f32
    %gt3A_442 = vector.broadcast %gt3A_441 : f32 to vector<8x128xf32>
    %gt3A_443 = arith.cmpf ogt, %min3A_364, %gt3A_442 : vector<8x128xf32>
    %and3A_444 = vector.broadcast %gt3A_82 : i1 to vector<8x128xi1>
    %and3A_445 = arith.andi %gt3A_443, %and3A_444 : vector<8x128xi1>
    %jit3A_446 = arith.constant 1.000000e+00 : f32
    %jit3A_447 = arith.constant 0.000000e+00 : f32
    %broadcast_in_dim3A_448 = vector.broadcast %jit3A_446 : f32 to vector<8x128xf32>
    %broadcast_in_dim3A_449 = vector.broadcast %jit3A_447 : f32 to vector<8x128xf32>
    %select_n3A_450 = arith.select %and3A_445, %broadcast_in_dim3A_448, %broadcast_in_dim3A_449 : vector<8x128xi1>, vector<8x128xf32>
    %add3A_451 = arith.addf %add3A_440, %select_n3A_450 : vector<8x128xf32>
    %gt3A_452 = arith.constant 2.000000e+00 : f32
    %gt3A_453 = vector.broadcast %gt3A_452 : f32 to vector<8x128xf32>
    %gt3A_454 = arith.cmpf ogt, %min3A_364, %gt3A_453 : vector<8x128xf32>
    %and3A_455 = vector.broadcast %gt3A_121 : i1 to vector<8x128xi1>
    %and3A_456 = arith.andi %gt3A_454, %and3A_455 : vector<8x128xi1>
    %jit3A_457 = arith.constant 1.000000e+00 : f32
    %jit3A_458 = arith.constant 0.000000e+00 : f32
    %broadcast_in_dim3A_459 = vector.broadcast %jit3A_457 : f32 to vector<8x128xf32>
    %broadcast_in_dim3A_460 = vector.broadcast %jit3A_458 : f32 to vector<8x128xf32>
    %select_n3A_461 = arith.select %and3A_456, %broadcast_in_dim3A_459, %broadcast_in_dim3A_460 : vector<8x128xi1>, vector<8x128xf32>
    %add3A_462 = arith.addf %add3A_451, %select_n3A_461 : vector<8x128xf32>
    %gt3A_463 = arith.constant 3.000000e+00 : f32
    %gt3A_464 = vector.broadcast %gt3A_463 : f32 to vector<8x128xf32>
    %gt3A_465 = arith.cmpf ogt, %min3A_364, %gt3A_464 : vector<8x128xf32>
    %and3A_466 = vector.broadcast %gt3A_160 : i1 to vector<8x128xi1>
    %and3A_467 = arith.andi %gt3A_465, %and3A_466 : vector<8x128xi1>
    %jit3A_468 = arith.constant 1.000000e+00 : f32
    %jit3A_469 = arith.constant 0.000000e+00 : f32
    %broadcast_in_dim3A_470 = vector.broadcast %jit3A_468 : f32 to vector<8x128xf32>
    %broadcast_in_dim3A_471 = vector.broadcast %jit3A_469 : f32 to vector<8x128xf32>
    %select_n3A_472 = arith.select %and3A_467, %broadcast_in_dim3A_470, %broadcast_in_dim3A_471 : vector<8x128xi1>, vector<8x128xf32>
    %add3A_473 = arith.addf %add3A_462, %select_n3A_472 : vector<8x128xf32>
    %gt3A_474 = arith.constant 4.000000e+00 : f32
    %gt3A_475 = vector.broadcast %gt3A_474 : f32 to vector<8x128xf32>
    %gt3A_476 = arith.cmpf ogt, %min3A_364, %gt3A_475 : vector<8x128xf32>
    %and3A_477 = vector.broadcast %gt3A_199 : i1 to vector<8x128xi1>
    %and3A_478 = arith.andi %gt3A_476, %and3A_477 : vector<8x128xi1>
    %jit3A_479 = arith.constant 1.000000e+00 : f32
    %jit3A_480 = arith.constant 0.000000e+00 : f32
    %broadcast_in_dim3A_481 = vector.broadcast %jit3A_479 : f32 to vector<8x128xf32>
    %broadcast_in_dim3A_482 = vector.broadcast %jit3A_480 : f32 to vector<8x128xf32>
    %select_n3A_483 = arith.select %and3A_478, %broadcast_in_dim3A_481, %broadcast_in_dim3A_482 : vector<8x128xi1>, vector<8x128xf32>
    %add3A_484 = arith.addf %add3A_473, %select_n3A_483 : vector<8x128xf32>
    %gt3A_485 = arith.constant 5.000000e+00 : f32
    %gt3A_486 = vector.broadcast %gt3A_485 : f32 to vector<8x128xf32>
    %gt3A_487 = arith.cmpf ogt, %min3A_364, %gt3A_486 : vector<8x128xf32>
    %and3A_488 = vector.broadcast %gt3A_238 : i1 to vector<8x128xi1>
    %and3A_489 = arith.andi %gt3A_487, %and3A_488 : vector<8x128xi1>
    %jit3A_490 = arith.constant 1.000000e+00 : f32
    %jit3A_491 = arith.constant 0.000000e+00 : f32
    %broadcast_in_dim3A_492 = vector.broadcast %jit3A_490 : f32 to vector<8x128xf32>
    %broadcast_in_dim3A_493 = vector.broadcast %jit3A_491 : f32 to vector<8x128xf32>
    %select_n3A_494 = arith.select %and3A_489, %broadcast_in_dim3A_492, %broadcast_in_dim3A_493 : vector<8x128xi1>, vector<8x128xf32>
    %add3A_495 = arith.addf %add3A_484, %select_n3A_494 : vector<8x128xf32>
    %gt3A_496 = arith.constant 6.000000e+00 : f32
    %gt3A_497 = vector.broadcast %gt3A_496 : f32 to vector<8x128xf32>
    %gt3A_498 = arith.cmpf ogt, %min3A_364, %gt3A_497 : vector<8x128xf32>
    %and3A_499 = vector.broadcast %gt3A_277 : i1 to vector<8x128xi1>
    %and3A_500 = arith.andi %gt3A_498, %and3A_499 : vector<8x128xi1>
    %jit3A_501 = arith.constant 1.000000e+00 : f32
    %jit3A_502 = arith.constant 0.000000e+00 : f32
    %broadcast_in_dim3A_503 = vector.broadcast %jit3A_501 : f32 to vector<8x128xf32>
    %broadcast_in_dim3A_504 = vector.broadcast %jit3A_502 : f32 to vector<8x128xf32>
    %select_n3A_505 = arith.select %and3A_500, %broadcast_in_dim3A_503, %broadcast_in_dim3A_504 : vector<8x128xi1>, vector<8x128xf32>
    %add3A_506 = arith.addf %add3A_495, %select_n3A_505 : vector<8x128xf32>
    %gt3A_507 = arith.constant 7.000000e+00 : f32
    %gt3A_508 = vector.broadcast %gt3A_507 : f32 to vector<8x128xf32>
    %gt3A_509 = arith.cmpf ogt, %min3A_364, %gt3A_508 : vector<8x128xf32>
    %and3A_510 = vector.broadcast %gt3A_316 : i1 to vector<8x128xi1>
    %and3A_511 = arith.andi %gt3A_509, %and3A_510 : vector<8x128xi1>
    %jit3A_512 = arith.constant 1.000000e+00 : f32
    %jit3A_513 = arith.constant 0.000000e+00 : f32
    %broadcast_in_dim3A_514 = vector.broadcast %jit3A_512 : f32 to vector<8x128xf32>
    %broadcast_in_dim3A_515 = vector.broadcast %jit3A_513 : f32 to vector<8x128xf32>
    %select_n3A_516 = arith.select %and3A_511, %broadcast_in_dim3A_514, %broadcast_in_dim3A_515 : vector<8x128xi1>, vector<8x128xf32>
    %add3A_517 = arith.addf %add3A_506, %select_n3A_516 : vector<8x128xf32>
    %broadcast_in_dim3A_518 = arith.constant 8.000000e+00 : f32
    %broadcast_in_dim3A_519 = vector.broadcast %broadcast_in_dim3A_518 : f32 to vector<8x128xf32>
    %lt3A_520 = arith.constant 7.000000e+00 : f32
    %lt3A_521 = vector.broadcast %lt3A_520 : f32 to vector<8x128xf32>
    %lt3A_522 = arith.cmpf olt, %select_n3A_427, %lt3A_521 : vector<8x128xf32>
    %and3A_523 = vector.broadcast %gt3A_316 : i1 to vector<8x128xi1>
    %and3A_524 = arith.andi %lt3A_522, %and3A_523 : vector<8x128xi1>
    %jit3A_525 = arith.constant 7.000000e+00 : f32
    %broadcast_in_dim3A_526 = vector.broadcast %jit3A_525 : f32 to vector<8x128xf32>
    %select_n3A_527 = arith.select %and3A_524, %broadcast_in_dim3A_526, %broadcast_in_dim3A_519 : vector<8x128xi1>, vector<8x128xf32>
    %lt3A_528 = arith.constant 6.000000e+00 : f32
    %lt3A_529 = vector.broadcast %lt3A_528 : f32 to vector<8x128xf32>
    %lt3A_530 = arith.cmpf olt, %select_n3A_427, %lt3A_529 : vector<8x128xf32>
    %and3A_531 = vector.broadcast %gt3A_277 : i1 to vector<8x128xi1>
    %and3A_532 = arith.andi %lt3A_530, %and3A_531 : vector<8x128xi1>
    %jit3A_533 = arith.constant 6.000000e+00 : f32
    %broadcast_in_dim3A_534 = vector.broadcast %jit3A_533 : f32 to vector<8x128xf32>
    %select_n3A_535 = arith.select %and3A_532, %broadcast_in_dim3A_534, %select_n3A_527 : vector<8x128xi1>, vector<8x128xf32>
    %lt3A_536 = arith.constant 5.000000e+00 : f32
    %lt3A_537 = vector.broadcast %lt3A_536 : f32 to vector<8x128xf32>
    %lt3A_538 = arith.cmpf olt, %select_n3A_427, %lt3A_537 : vector<8x128xf32>
    %and3A_539 = vector.broadcast %gt3A_238 : i1 to vector<8x128xi1>
    %and3A_540 = arith.andi %lt3A_538, %and3A_539 : vector<8x128xi1>
    %jit3A_541 = arith.constant 5.000000e+00 : f32
    %broadcast_in_dim3A_542 = vector.broadcast %jit3A_541 : f32 to vector<8x128xf32>
    %select_n3A_543 = arith.select %and3A_540, %broadcast_in_dim3A_542, %select_n3A_535 : vector<8x128xi1>, vector<8x128xf32>
    %lt3A_544 = arith.constant 4.000000e+00 : f32
    %lt3A_545 = vector.broadcast %lt3A_544 : f32 to vector<8x128xf32>
    %lt3A_546 = arith.cmpf olt, %select_n3A_427, %lt3A_545 : vector<8x128xf32>
    %and3A_547 = vector.broadcast %gt3A_199 : i1 to vector<8x128xi1>
    %and3A_548 = arith.andi %lt3A_546, %and3A_547 : vector<8x128xi1>
    %jit3A_549 = arith.constant 4.000000e+00 : f32
    %broadcast_in_dim3A_550 = vector.broadcast %jit3A_549 : f32 to vector<8x128xf32>
    %select_n3A_551 = arith.select %and3A_548, %broadcast_in_dim3A_550, %select_n3A_543 : vector<8x128xi1>, vector<8x128xf32>
    %lt3A_552 = arith.constant 3.000000e+00 : f32
    %lt3A_553 = vector.broadcast %lt3A_552 : f32 to vector<8x128xf32>
    %lt3A_554 = arith.cmpf olt, %select_n3A_427, %lt3A_553 : vector<8x128xf32>
    %and3A_555 = vector.broadcast %gt3A_160 : i1 to vector<8x128xi1>
    %and3A_556 = arith.andi %lt3A_554, %and3A_555 : vector<8x128xi1>
    %jit3A_557 = arith.constant 3.000000e+00 : f32
    %broadcast_in_dim3A_558 = vector.broadcast %jit3A_557 : f32 to vector<8x128xf32>
    %select_n3A_559 = arith.select %and3A_556, %broadcast_in_dim3A_558, %select_n3A_551 : vector<8x128xi1>, vector<8x128xf32>
    %lt3A_560 = arith.constant 2.000000e+00 : f32
    %lt3A_561 = vector.broadcast %lt3A_560 : f32 to vector<8x128xf32>
    %lt3A_562 = arith.cmpf olt, %select_n3A_427, %lt3A_561 : vector<8x128xf32>
    %and3A_563 = vector.broadcast %gt3A_121 : i1 to vector<8x128xi1>
    %and3A_564 = arith.andi %lt3A_562, %and3A_563 : vector<8x128xi1>
    %jit3A_565 = arith.constant 2.000000e+00 : f32
    %broadcast_in_dim3A_566 = vector.broadcast %jit3A_565 : f32 to vector<8x128xf32>
    %select_n3A_567 = arith.select %and3A_564, %broadcast_in_dim3A_566, %select_n3A_559 : vector<8x128xi1>, vector<8x128xf32>
    %lt3A_568 = arith.constant 1.000000e+00 : f32
    %lt3A_569 = vector.broadcast %lt3A_568 : f32 to vector<8x128xf32>
    %lt3A_570 = arith.cmpf olt, %select_n3A_427, %lt3A_569 : vector<8x128xf32>
    %and3A_571 = vector.broadcast %gt3A_82 : i1 to vector<8x128xi1>
    %and3A_572 = arith.andi %lt3A_570, %and3A_571 : vector<8x128xi1>
    %jit3A_573 = arith.constant 1.000000e+00 : f32
    %broadcast_in_dim3A_574 = vector.broadcast %jit3A_573 : f32 to vector<8x128xf32>
    %select_n3A_575 = arith.select %and3A_572, %broadcast_in_dim3A_574, %select_n3A_567 : vector<8x128xi1>, vector<8x128xf32>
    %lt3A_576 = arith.constant 0.000000e+00 : f32
    %lt3A_577 = vector.broadcast %lt3A_576 : f32 to vector<8x128xf32>
    %lt3A_578 = arith.cmpf olt, %select_n3A_427, %lt3A_577 : vector<8x128xf32>
    %and3A_579 = vector.broadcast %gt3A_44 : i1 to vector<8x128xi1>
    %and3A_580 = arith.andi %lt3A_578, %and3A_579 : vector<8x128xi1>
    %jit3A_581 = arith.constant 0.000000e+00 : f32
    %broadcast_in_dim3A_582 = vector.broadcast %jit3A_581 : f32 to vector<8x128xf32>
    %select_n3A_583 = arith.select %and3A_580, %broadcast_in_dim3A_582, %select_n3A_575 : vector<8x128xi1>, vector<8x128xf32>
    %eq3A_584 = arith.constant 1.200000e+02 : f32
    %eq3A_585 = vector.broadcast %eq3A_584 : f32 to vector<8x128xf32>
    %eq3A_586 = arith.cmpf oeq, %convert_element_type3A_321, %eq3A_585 : vector<8x128xf32>
    %broadcast_in_dim3A_587 = vector.broadcast %mul3A_314 : f32 to vector<8x128xf32>
    %select_n3A_588 = arith.select %eq3A_586, %broadcast_in_dim3A_587, %min3A_364 : vector<8x128xi1>, vector<8x128xf32>
    %iota3A_589 = tpu.iota {dimensions = array<i32: 0>} : vector<8x128xi32>
    %eq3A_590 = arith.constant 1 : i32
    %eq3A_591 = vector.broadcast %eq3A_590 : i32 to vector<8x128xi32>
    %eq3A_592 = arith.cmpi eq, %iota3A_589, %eq3A_591 : vector<8x128xi32>
    %select_n3A_593 = arith.select %eq3A_592, %select_n3A_427, %select_n3A_588 : vector<8x128xi1>, vector<8x128xf32>
    %eq3A_594 = arith.constant 2 : i32
    %eq3A_595 = vector.broadcast %eq3A_594 : i32 to vector<8x128xi32>
    %eq3A_596 = arith.cmpi eq, %iota3A_589, %eq3A_595 : vector<8x128xi32>
    %select_n3A_597 = arith.select %eq3A_596, %add3A_517, %select_n3A_593 : vector<8x128xi1>, vector<8x128xf32>
    %eq3A_598 = arith.constant 3 : i32
    %eq3A_599 = vector.broadcast %eq3A_598 : i32 to vector<8x128xi32>
    %eq3A_600 = arith.cmpi eq, %iota3A_589, %eq3A_599 : vector<8x128xi32>
    %select_n3A_601 = arith.select %eq3A_600, %select_n3A_583, %select_n3A_597 : vector<8x128xi1>, vector<8x128xf32>
    %convert_element_type3A_602 = arith.fptosi %select_n3A_601 : vector<8x128xf32> to vector<8x128xi32>
    %swap3A_603 = arith.constant 0 : index
    %swap3A_604 = arith.constant 0 : index
    %swap3A_605 = vector.load %arg2[%swap3A_603, %swap3A_604] : memref<8x128xi32, #tpu.memory_space<vmem>>, vector<8x128xi32>
    tpu.vector_store %arg2[%swap3A_603, %swap3A_604], %convert_element_type3A_602 {strides = array<i32>} : memref<8x128xi32, #tpu.memory_space<vmem>>, vector<8x128xi32>,
    return
  }
}

module attributes {stable_mosaic.version = 14 : i64} {
  func.func @_tc_mlp_body(%arg0: i32, %arg1: memref<8x128xi32, #tpu.memory_space<smem>>, %arg2: memref<256x1024xf32, #tpu.memory_space<vmem>>, %arg3: memref<8x1024x1024xf32, #tpu.memory_space<any>>, %arg4: memref<1x1x1024xf32, #tpu.memory_space<vmem>>, %arg5: memref<8x1024x1024xf32, #tpu.memory_space<any>>, %arg6: memref<1x1x1024xf32, #tpu.memory_space<vmem>>, %arg7: memref<256x1024xf32, #tpu.memory_space<vmem>>, %arg8: memref<2x1024x1024xf32, #tpu.memory_space<vmem>>, %arg9: memref<2x1024x1024xf32, #tpu.memory_space<vmem>>, %arg10: memref<2x2x!tpu.dma_semaphore, #tpu.memory_space<semaphore_mem>>) attributes {dimension_semantics = [#tpu.dimension_semantics<arbitrary>], iteration_bounds = array<i64: 24>, scalar_prefetch = 1 : i64, scratch_operands = 3 : i64, tpu.core_type = #tpu.core_type<tc>, window_params = [{transform_indices = @transform_0, window_bounds = array<i64: 256, 1024>}, {}, {transform_indices = @transform_2, window_bounds = array<i64: 1, 1, 1024>}, {}, {transform_indices = @transform_4, window_bounds = array<i64: 1, 1, 1024>}, {transform_indices = @transform_5, window_bounds = array<i64: 256, 1024>}]} {
    %get3A = arith.constant 0 : index
    %get3A_0 = arith.constant 120 : index
    %get3A_1 = memref.load %arg1[%get3A, %get3A_0] : memref<8x128xi32, #tpu.memory_space<smem>>
    %lt3A = arith.cmpi slt, %arg0, %get3A_1 : i32
    %get3A_2 = arith.constant 0 : index
    %get3A_3 = arith.index_cast %arg0 : i32 to index
    %get3A_4 = memref.load %arg1[%get3A_2, %get3A_3] : memref<8x128xi32, #tpu.memory_space<smem>>
    %get3A_5 = arith.constant 1 : index
    %get3A_6 = arith.index_cast %arg0 : i32 to index
    %get3A_7 = memref.load %arg1[%get3A_5, %get3A_6] : memref<8x128xi32, #tpu.memory_space<smem>>
    %get3A_8 = arith.constant 2 : index
    %get3A_9 = arith.index_cast %arg0 : i32 to index
    %get3A_10 = memref.load %arg1[%get3A_8, %get3A_9] : memref<8x128xi32, #tpu.memory_space<smem>>
    %jit3A = arith.constant 2 : i32
    %eq3A = arith.constant 0 : i32
    %eq3A_11 = arith.cmpi eq, %jit3A, %eq3A : i32
    %jit3A_12 = arith.constant 1 : i32
    %select_n3A = arith.select %eq3A_11, %jit3A_12, %jit3A : i32
    %rem3A = arith.remsi %get3A_10, %select_n3A : i32
    %ne3A = arith.constant 0 : i32
    %ne3A_13 = arith.cmpi ne, %rem3A, %ne3A : i32
    %lt3A_14 = arith.constant 0 : i32
    %lt3A_15 = arith.cmpi slt, %rem3A, %lt3A_14 : i32
    %lt3A_16 = arith.constant 0 : i32
    %lt3A_17 = arith.cmpi slt, %select_n3A, %lt3A_16 : i32
    %ne3A_18 = arith.xori %lt3A_15, %lt3A_17 : i1
    %and3A = arith.andi %ne3A_18, %ne3A_13 : i1
    %add3A = arith.addi %rem3A, %select_n3A : i32
    %select_n3A_19 = arith.select %and3A, %add3A, %rem3A : i32
    %sub3A = arith.constant 1 : i32
    %sub3A_20 = arith.subi %arg0, %sub3A : i32
    %max3A = arith.constant 0 : i32
    %max3A_21 = arith.maxsi %sub3A_20, %max3A : i32
    %get3A_22 = arith.constant 0 : index
    %get3A_23 = arith.index_cast %max3A_21 : i32 to index
    %get3A_24 = memref.load %arg1[%get3A_22, %get3A_23] : memref<8x128xi32, #tpu.memory_space<smem>>
    %eq3A_25 = arith.constant 0 : i32
    %eq3A_26 = arith.cmpi eq, %arg0, %eq3A_25 : i32
    %ne3A_27 = arith.cmpi ne, %get3A_24, %get3A_4 : i32
    %or3A = arith.ori %eq3A_26, %ne3A_27 : i1
    %eq3A_28 = arith.constant 0 : i32
    %eq3A_29 = arith.cmpi eq, %arg0, %eq3A_28 : i32
    %and3A_30 = arith.andi %lt3A, %eq3A_29 : i1
    %convert_element_type3A = arith.extui %and3A_30 : i1 to i32
    %cond3A = arith.constant 0 : i32
    %cond3A_31 = arith.cmpi ne, %convert_element_type3A, %cond3A : i32
    scf.if %cond3A_31 {
      %dma_start3A = arith.constant 0 : i32
      %dma_start3A_46 = tpu.memref_slice %arg10[%dma_start3A, %select_n3A_19] : memref<2x2x!tpu.dma_semaphore, #tpu.memory_space<semaphore_mem>> -> memref<1x1x!tpu.dma_semaphore, #tpu.memory_space<semaphore_mem>>
      %dma_start3A_47 = tpu.memref_squeeze %dma_start3A_46 : memref<1x1x!tpu.dma_semaphore, #tpu.memory_space<semaphore_mem>> -> memref<!tpu.dma_semaphore, #tpu.memory_space<semaphore_mem>>
      %dma_start3A_48 = arith.constant 0 : i32
      %dma_start3A_49 = arith.constant 0 : i32
      %dma_start3A_50 = tpu.memref_slice %arg8[%select_n3A_19, %dma_start3A_48, %dma_start3A_49] : memref<2x1024x1024xf32, #tpu.memory_space<vmem>> -> memref<1x1024x1024xf32, #tpu.memory_space<vmem>>
      %dma_start3A_51 = tpu.memref_squeeze %dma_start3A_50 : memref<1x1024x1024xf32, #tpu.memory_space<vmem>> -> memref<1024x1024xf32, #tpu.memory_space<vmem>>
      %dma_start3A_52 = arith.constant 0 : i32
      %dma_start3A_53 = arith.constant 0 : i32
      %dma_start3A_54 = tpu.memref_slice %arg3[%get3A_4, %dma_start3A_52, %dma_start3A_53] : memref<8x1024x1024xf32, #tpu.memory_space<any>> -> memref<1x1024x1024xf32, #tpu.memory_space<any>>
      %dma_start3A_55 = tpu.memref_squeeze %dma_start3A_54 : memref<1x1024x1024xf32, #tpu.memory_space<any>> -> memref<1024x1024xf32, #tpu.memory_space<any>>
      tpu.enqueue_dma source(%dma_start3A_55 : memref<1024x1024xf32, #tpu.memory_space<any>>) target(%dma_start3A_51 : memref<1024x1024xf32, #tpu.memory_space<vmem>>) target_semaphore(%dma_start3A_47 : memref<!tpu.dma_semaphore, #tpu.memory_space<semaphore_mem>>)
      %dma_start3A_56 = arith.constant 1 : i32
      %dma_start3A_57 = tpu.memref_slice %arg10[%dma_start3A_56, %select_n3A_19] : memref<2x2x!tpu.dma_semaphore, #tpu.memory_space<semaphore_mem>> -> memref<1x1x!tpu.dma_semaphore, #tpu.memory_space<semaphore_mem>>
      %dma_start3A_58 = tpu.memref_squeeze %dma_start3A_57 : memref<1x1x!tpu.dma_semaphore, #tpu.memory_space<semaphore_mem>> -> memref<!tpu.dma_semaphore, #tpu.memory_space<semaphore_mem>>
      %dma_start3A_59 = arith.constant 0 : i32
      %dma_start3A_60 = arith.constant 0 : i32
      %dma_start3A_61 = tpu.memref_slice %arg9[%select_n3A_19, %dma_start3A_59, %dma_start3A_60] : memref<2x1024x1024xf32, #tpu.memory_space<vmem>> -> memref<1x1024x1024xf32, #tpu.memory_space<vmem>>
      %dma_start3A_62 = tpu.memref_squeeze %dma_start3A_61 : memref<1x1024x1024xf32, #tpu.memory_space<vmem>> -> memref<1024x1024xf32, #tpu.memory_space<vmem>>
      %dma_start3A_63 = arith.constant 0 : i32
      %dma_start3A_64 = arith.constant 0 : i32
      %dma_start3A_65 = tpu.memref_slice %arg5[%get3A_4, %dma_start3A_63, %dma_start3A_64] : memref<8x1024x1024xf32, #tpu.memory_space<any>> -> memref<1x1024x1024xf32, #tpu.memory_space<any>>
      %dma_start3A_66 = tpu.memref_squeeze %dma_start3A_65 : memref<1x1024x1024xf32, #tpu.memory_space<any>> -> memref<1024x1024xf32, #tpu.memory_space<any>>
      tpu.enqueue_dma source(%dma_start3A_66 : memref<1024x1024xf32, #tpu.memory_space<any>>) target(%dma_start3A_62 : memref<1024x1024xf32, #tpu.memory_space<vmem>>) target_semaphore(%dma_start3A_58 : memref<!tpu.dma_semaphore, #tpu.memory_space<semaphore_mem>>)
    } else {
    }
    %lt3A_32 = arith.constant 8 : i32
    %lt3A_33 = arith.cmpi slt, %get3A_7, %lt3A_32 : i32
    %and3A_34 = arith.andi %or3A, %lt3A_33 : i1
    %and3A_35 = arith.andi %lt3A, %and3A_34 : i1
    %convert_element_type3A_36 = arith.extui %and3A_35 : i1 to i32
    %cond3A_37 = arith.constant 0 : i32
    %cond3A_38 = arith.cmpi ne, %convert_element_type3A_36, %cond3A_37 : i32
    scf.if %cond3A_38 {
      %sub3A_46 = arith.constant 1 : i32
      %sub3A_47 = arith.subi %sub3A_46, %select_n3A_19 : i32
      %dma_start3A = arith.constant 0 : i32
      %dma_start3A_48 = tpu.memref_slice %arg10[%dma_start3A, %sub3A_47] : memref<2x2x!tpu.dma_semaphore, #tpu.memory_space<semaphore_mem>> -> memref<1x1x!tpu.dma_semaphore, #tpu.memory_space<semaphore_mem>>
      %dma_start3A_49 = tpu.memref_squeeze %dma_start3A_48 : memref<1x1x!tpu.dma_semaphore, #tpu.memory_space<semaphore_mem>> -> memref<!tpu.dma_semaphore, #tpu.memory_space<semaphore_mem>>
      %dma_start3A_50 = arith.constant 0 : i32
      %dma_start3A_51 = arith.constant 0 : i32
      %dma_start3A_52 = tpu.memref_slice %arg8[%sub3A_47, %dma_start3A_50, %dma_start3A_51] : memref<2x1024x1024xf32, #tpu.memory_space<vmem>> -> memref<1x1024x1024xf32, #tpu.memory_space<vmem>>
      %dma_start3A_53 = tpu.memref_squeeze %dma_start3A_52 : memref<1x1024x1024xf32, #tpu.memory_space<vmem>> -> memref<1024x1024xf32, #tpu.memory_space<vmem>>
      %dma_start3A_54 = arith.constant 0 : i32
      %dma_start3A_55 = arith.constant 0 : i32
      %dma_start3A_56 = tpu.memref_slice %arg3[%get3A_7, %dma_start3A_54, %dma_start3A_55] : memref<8x1024x1024xf32, #tpu.memory_space<any>> -> memref<1x1024x1024xf32, #tpu.memory_space<any>>
      %dma_start3A_57 = tpu.memref_squeeze %dma_start3A_56 : memref<1x1024x1024xf32, #tpu.memory_space<any>> -> memref<1024x1024xf32, #tpu.memory_space<any>>
      tpu.enqueue_dma source(%dma_start3A_57 : memref<1024x1024xf32, #tpu.memory_space<any>>) target(%dma_start3A_53 : memref<1024x1024xf32, #tpu.memory_space<vmem>>) target_semaphore(%dma_start3A_49 : memref<!tpu.dma_semaphore, #tpu.memory_space<semaphore_mem>>)
      %dma_start3A_58 = arith.constant 1 : i32
      %dma_start3A_59 = tpu.memref_slice %arg10[%dma_start3A_58, %sub3A_47] : memref<2x2x!tpu.dma_semaphore, #tpu.memory_space<semaphore_mem>> -> memref<1x1x!tpu.dma_semaphore, #tpu.memory_space<semaphore_mem>>
      %dma_start3A_60 = tpu.memref_squeeze %dma_start3A_59 : memref<1x1x!tpu.dma_semaphore, #tpu.memory_space<semaphore_mem>> -> memref<!tpu.dma_semaphore, #tpu.memory_space<semaphore_mem>>
      %dma_start3A_61 = arith.constant 0 : i32
      %dma_start3A_62 = arith.constant 0 : i32
      %dma_start3A_63 = tpu.memref_slice %arg9[%sub3A_47, %dma_start3A_61, %dma_start3A_62] : memref<2x1024x1024xf32, #tpu.memory_space<vmem>> -> memref<1x1024x1024xf32, #tpu.memory_space<vmem>>
      %dma_start3A_64 = tpu.memref_squeeze %dma_start3A_63 : memref<1x1024x1024xf32, #tpu.memory_space<vmem>> -> memref<1024x1024xf32, #tpu.memory_space<vmem>>
      %dma_start3A_65 = arith.constant 0 : i32
      %dma_start3A_66 = arith.constant 0 : i32
      %dma_start3A_67 = tpu.memref_slice %arg5[%get3A_7, %dma_start3A_65, %dma_start3A_66] : memref<8x1024x1024xf32, #tpu.memory_space<any>> -> memref<1x1024x1024xf32, #tpu.memory_space<any>>
      %dma_start3A_68 = tpu.memref_squeeze %dma_start3A_67 : memref<1x1024x1024xf32, #tpu.memory_space<any>> -> memref<1024x1024xf32, #tpu.memory_space<any>>
      tpu.enqueue_dma source(%dma_start3A_68 : memref<1024x1024xf32, #tpu.memory_space<any>>) target(%dma_start3A_64 : memref<1024x1024xf32, #tpu.memory_space<vmem>>) target_semaphore(%dma_start3A_60 : memref<!tpu.dma_semaphore, #tpu.memory_space<semaphore_mem>>)
    } else {
    }
    %and3A_39 = arith.andi %lt3A, %or3A : i1
    %convert_element_type3A_40 = arith.extui %and3A_39 : i1 to i32
    %cond3A_41 = arith.constant 0 : i32
    %cond3A_42 = arith.cmpi ne, %convert_element_type3A_40, %cond3A_41 : i32
    scf.if %cond3A_42 {
      %dma_wait3A = arith.constant 0 : i32
      %dma_wait3A_46 = tpu.memref_slice %arg10[%dma_wait3A, %select_n3A_19] : memref<2x2x!tpu.dma_semaphore, #tpu.memory_space<semaphore_mem>> -> memref<1x1x!tpu.dma_semaphore, #tpu.memory_space<semaphore_mem>>
      %dma_wait3A_47 = tpu.memref_squeeze %dma_wait3A_46 : memref<1x1x!tpu.dma_semaphore, #tpu.memory_space<semaphore_mem>> -> memref<!tpu.dma_semaphore, #tpu.memory_space<semaphore_mem>>
      %dma_wait3A_48 = arith.constant 0 : i32
      %dma_wait3A_49 = arith.constant 0 : i32
      %dma_wait3A_50 = tpu.memref_slice %arg8[%select_n3A_19, %dma_wait3A_48, %dma_wait3A_49] : memref<2x1024x1024xf32, #tpu.memory_space<vmem>> -> memref<1x1024x1024xf32, #tpu.memory_space<vmem>>
      %dma_wait3A_51 = tpu.memref_squeeze %dma_wait3A_50 : memref<1x1024x1024xf32, #tpu.memory_space<vmem>> -> memref<1024x1024xf32, #tpu.memory_space<vmem>>
      %dma_wait3A_52 = arith.constant 0 : i32
      %dma_wait3A_53 = arith.constant 0 : i32
      %dma_wait3A_54 = tpu.memref_slice %arg3[%get3A_4, %dma_wait3A_52, %dma_wait3A_53] : memref<8x1024x1024xf32, #tpu.memory_space<any>> -> memref<1x1024x1024xf32, #tpu.memory_space<any>>
      %dma_wait3A_55 = tpu.memref_squeeze %dma_wait3A_54 : memref<1x1024x1024xf32, #tpu.memory_space<any>> -> memref<1024x1024xf32, #tpu.memory_space<any>>
      tpu.wait_dma2 semaphore(%dma_wait3A_47 : memref<!tpu.dma_semaphore, #tpu.memory_space<semaphore_mem>>) src(%dma_wait3A_55 : memref<1024x1024xf32, #tpu.memory_space<any>>) dst(%dma_wait3A_51 : memref<1024x1024xf32, #tpu.memory_space<vmem>>)
      %dma_wait3A_56 = arith.constant 1 : i32
      %dma_wait3A_57 = tpu.memref_slice %arg10[%dma_wait3A_56, %select_n3A_19] : memref<2x2x!tpu.dma_semaphore, #tpu.memory_space<semaphore_mem>> -> memref<1x1x!tpu.dma_semaphore, #tpu.memory_space<semaphore_mem>>
      %dma_wait3A_58 = tpu.memref_squeeze %dma_wait3A_57 : memref<1x1x!tpu.dma_semaphore, #tpu.memory_space<semaphore_mem>> -> memref<!tpu.dma_semaphore, #tpu.memory_space<semaphore_mem>>
      %dma_wait3A_59 = arith.constant 0 : i32
      %dma_wait3A_60 = arith.constant 0 : i32
      %dma_wait3A_61 = tpu.memref_slice %arg9[%select_n3A_19, %dma_wait3A_59, %dma_wait3A_60] : memref<2x1024x1024xf32, #tpu.memory_space<vmem>> -> memref<1x1024x1024xf32, #tpu.memory_space<vmem>>
      %dma_wait3A_62 = tpu.memref_squeeze %dma_wait3A_61 : memref<1x1024x1024xf32, #tpu.memory_space<vmem>> -> memref<1024x1024xf32, #tpu.memory_space<vmem>>
      %dma_wait3A_63 = arith.constant 0 : i32
      %dma_wait3A_64 = arith.constant 0 : i32
      %dma_wait3A_65 = tpu.memref_slice %arg5[%get3A_4, %dma_wait3A_63, %dma_wait3A_64] : memref<8x1024x1024xf32, #tpu.memory_space<any>> -> memref<1x1024x1024xf32, #tpu.memory_space<any>>
      %dma_wait3A_66 = tpu.memref_squeeze %dma_wait3A_65 : memref<1x1024x1024xf32, #tpu.memory_space<any>> -> memref<1024x1024xf32, #tpu.memory_space<any>>
      tpu.wait_dma2 semaphore(%dma_wait3A_58 : memref<!tpu.dma_semaphore, #tpu.memory_space<semaphore_mem>>) src(%dma_wait3A_66 : memref<1024x1024xf32, #tpu.memory_space<any>>) dst(%dma_wait3A_62 : memref<1024x1024xf32, #tpu.memory_space<vmem>>)
    } else {
    }
    %convert_element_type3A_43 = arith.extui %lt3A : i1 to i32
    %cond3A_44 = arith.constant 0 : i32
    %cond3A_45 = arith.cmpi ne, %convert_element_type3A_43, %cond3A_44 : i32
    scf.if %cond3A_45 {
      %get3A_46 = arith.constant 0 : index
      %get3A_47 = arith.constant 0 : index
      %get3A_48 = vector.load %arg2[%get3A_46, %get3A_47] : memref<256x1024xf32, #tpu.memory_space<vmem>>, vector<256x1024xf32>
      %convert_element_type3A_49 = arith.truncf %get3A_48 : vector<256x1024xf32> to vector<256x1024xbf16>
      %get3A_50 = arith.index_cast %select_n3A_19 : i32 to index
      %get3A_51 = arith.constant 0 : index
      %get3A_52 = arith.constant 0 : index
      %get3A_53 = vector.load %arg8[%get3A_50, %get3A_51, %get3A_52] : memref<2x1024x1024xf32, #tpu.memory_space<vmem>>, vector<1x1024x1024xf32>
      %get3A_54 = vector.shape_cast %get3A_53 : vector<1x1024x1024xf32> to vector<1024x1024xf32>
      %convert_element_type3A_55 = arith.truncf %get3A_54 : vector<1024x1024xf32> to vector<1024x1024xbf16>
      %dot_general3A = arith.constant dense<0.000000e+00> : vector<256x1024xf32>
      %dot_general3A_56 = tpu.matmul %convert_element_type3A_49, %convert_element_type3A_55, %dot_general3A {dimension_numbers = #tpu.dot_dimension_numbers<[1], [1], [0], [0], [0, 0, 1, 0], [], []>, transpose_lhs_hint = false} : vector<256x1024xbf16>, vector<1024x1024xbf16>, vector<256x1024xf32> -> vector<256x1024xf32>
      %get3A_57 = arith.constant 0 : index
      %get3A_58 = arith.constant 0 : index
      %get3A_59 = arith.constant 0 : index
      %get3A_60 = vector.load %arg4[%get3A_57, %get3A_58, %get3A_59] : memref<1x1x1024xf32, #tpu.memory_space<vmem>>, vector<1x1x1024xf32>
      %get3A_61 = vector.shape_cast %get3A_60 : vector<1x1x1024xf32> to vector<1x1024xf32>
      %add3A_62 = vector.broadcast %get3A_61 : vector<1x1024xf32> to vector<256x1024xf32>
      %add3A_63 = arith.addf %dot_general3A_56, %add3A_62 : vector<256x1024xf32>
      %max3A_64 = arith.constant 0.000000e+00 : f32
      %max3A_65 = vector.broadcast %max3A_64 : f32 to vector<256x1024xf32>
      %max3A_66 = arith.maximumf %add3A_63, %max3A_65 : vector<256x1024xf32>
      %convert_element_type3A_67 = arith.truncf %max3A_66 : vector<256x1024xf32> to vector<256x1024xbf16>
      %get3A_68 = arith.index_cast %select_n3A_19 : i32 to index
      %get3A_69 = arith.constant 0 : index
      %get3A_70 = arith.constant 0 : index
      %get3A_71 = vector.load %arg9[%get3A_68, %get3A_69, %get3A_70] : memref<2x1024x1024xf32, #tpu.memory_space<vmem>>, vector<1x1024x1024xf32>
      %get3A_72 = vector.shape_cast %get3A_71 : vector<1x1024x1024xf32> to vector<1024x1024xf32>
      %convert_element_type3A_73 = arith.truncf %get3A_72 : vector<1024x1024xf32> to vector<1024x1024xbf16>
      %dot_general3A_74 = arith.constant dense<0.000000e+00> : vector<256x1024xf32>
      %dot_general3A_75 = tpu.matmul %convert_element_type3A_67, %convert_element_type3A_73, %dot_general3A_74 {dimension_numbers = #tpu.dot_dimension_numbers<[1], [1], [0], [0], [0, 0, 1, 0], [], []>, transpose_lhs_hint = false} : vector<256x1024xbf16>, vector<1024x1024xbf16>, vector<256x1024xf32> -> vector<256x1024xf32>
      %get3A_76 = arith.constant 0 : index
      %get3A_77 = arith.constant 0 : index
      %get3A_78 = arith.constant 0 : index
      %get3A_79 = vector.load %arg6[%get3A_76, %get3A_77, %get3A_78] : memref<1x1x1024xf32, #tpu.memory_space<vmem>>, vector<1x1x1024xf32>
      %get3A_80 = vector.shape_cast %get3A_79 : vector<1x1x1024xf32> to vector<1x1024xf32>
      %add3A_81 = vector.broadcast %get3A_80 : vector<1x1024xf32> to vector<256x1024xf32>
      %add3A_82 = arith.addf %dot_general3A_75, %add3A_81 : vector<256x1024xf32>
      %max3A_83 = arith.constant 0.000000e+00 : f32
      %max3A_84 = vector.broadcast %max3A_83 : f32 to vector<256x1024xf32>
      %max3A_85 = arith.maximumf %add3A_82, %max3A_84 : vector<256x1024xf32>
      %mul3A = arith.constant 0.00999999977 : f32
      %mul3A_86 = vector.broadcast %mul3A : f32 to vector<256x1024xf32>
      %mul3A_87 = arith.mulf %mul3A_86, %max3A_85 : vector<256x1024xf32>
      %add3A_88 = arith.addf %max3A_85, %mul3A_87 : vector<256x1024xf32>
      %swap3A = arith.constant 0 : index
      %swap3A_89 = arith.constant 0 : index
      %swap3A_90 = vector.load %arg7[%swap3A, %swap3A_89] : memref<256x1024xf32, #tpu.memory_space<vmem>>, vector<256x1024xf32>
      tpu.vector_store %arg7[%swap3A, %swap3A_89], %add3A_88 {strides = array<i32>} : memref<256x1024xf32, #tpu.memory_space<vmem>>, vector<256x1024xf32>,
    } else {
    }
    return
  }
  func.func @transform_0(%arg0: i32, %arg1: memref<8x128xi32, #tpu.memory_space<smem>>) -> (i32, i32) {
    %get3A = arith.constant 0 : index
    %get3A_0 = arith.constant 120 : index
    %get3A_1 = memref.load %arg1[%get3A, %get3A_0] : memref<8x128xi32, #tpu.memory_space<smem>>
    %sub3A = arith.constant 1 : i32
    %sub3A_2 = arith.subi %get3A_1, %sub3A : i32
    %min3A = arith.minsi %arg0, %sub3A_2 : i32
    %c0_i32 = arith.constant 0 : i32
    %c0_i32_3 = arith.constant 0 : i32
    return %min3A, %c0_i32 : i32, i32
  }
  func.func @transform_2(%arg0: i32, %arg1: memref<8x128xi32, #tpu.memory_space<smem>>) -> (i32, i32, i32) {
    %get3A = arith.constant 0 : index
    %get3A_0 = arith.index_cast %arg0 : i32 to index
    %get3A_1 = memref.load %arg1[%get3A, %get3A_0] : memref<8x128xi32, #tpu.memory_space<smem>>
    %c0_i32 = arith.constant 0 : i32
    %c0_i32_2 = arith.constant 0 : i32
    %c0_i32_3 = arith.constant 0 : i32
    return %get3A_1, %c0_i32, %c0_i32_2 : i32, i32, i32
  }
  func.func @transform_4(%arg0: i32, %arg1: memref<8x128xi32, #tpu.memory_space<smem>>) -> (i32, i32, i32) {
    %get3A = arith.constant 0 : index
    %get3A_0 = arith.index_cast %arg0 : i32 to index
    %get3A_1 = memref.load %arg1[%get3A, %get3A_0] : memref<8x128xi32, #tpu.memory_space<smem>>
    %c0_i32 = arith.constant 0 : i32
    %c0_i32_2 = arith.constant 0 : i32
    %c0_i32_3 = arith.constant 0 : i32
    return %get3A_1, %c0_i32, %c0_i32_2 : i32, i32, i32
  }
  func.func @transform_5(%arg0: i32, %arg1: memref<8x128xi32, #tpu.memory_space<smem>>) -> (i32, i32) {
    %get3A = arith.constant 0 : index
    %get3A_0 = arith.constant 120 : index
    %get3A_1 = memref.load %arg1[%get3A, %get3A_0] : memref<8x128xi32, #tpu.memory_space<smem>>
    %sub3A = arith.constant 1 : i32
    %sub3A_2 = arith.subi %get3A_1, %sub3A : i32
    %min3A = arith.minsi %arg0, %sub3A_2 : i32
    %c0_i32 = arith.constant 0 : i32
    %c0_i32_3 = arith.constant 0 : i32
    return %min3A, %c0_i32 : i32, i32
  }
}

</mosaic_0001>

<sc_bundles>
// kernel: kernel.6.cloned.1.call-start
scs
__scs_entry_jumppad:
0x0: {  	(pc) =	sbr.rel $0x88, $3  }
0x1: {  	(tag) =	ssettag $0x0;
	lr =	simm.s32 $0x1  }
0x2: {  	[smem:$0x3F9B] =	sst lr;
	_ =	strace $0xD0000000  }
0x3: {  	_ = 	snop  }
0x4: {  	_ = 	snop  }
0x5: {  	_ = 	snop  }
0x6: {  	_ = 	snop  }
0x7: {  	_ = 	snop  }
__scs_overlays_trampoline_lowered:
0x8: {  	[smem:$0x3FAA] =	sst s0  }
0x9: {  	[smem:$0x3FAB] =	sst s1  }
0xa: {  	[smem:$0x3FAC] =	sst s2  }
0xb: {  	[smem:$0x3FAD] =	sst s3  }
0xc: {  	[smem:$0x3FAE] =	sst s4  }
0xd: {  	[smem:$0x3FAF] =	sst s5  }
0xe: {  	[smem:$0x3FB0] =	sst s6  }
0xf: {  	[smem:$0x3FB1] =	sst s7  }
0x10: {  	[smem:$0x3FB2] =	sst s8  }
0x11: {  	[smem:$0x3FB3] =	sst s9;
	s0 =	simm.s32 @!p0 $0x0  }
0x12: {  	s1 =	sld [smem:$0x3F99];
	s0 =	simm.s32 @p0 $0x1  }
0x13: {  	[smem:$0x3FB4] =	sst s0;
	s0 =	simm.s32 @!p1 $0x0  }
0x14: {  	s2 =	sld [smem:$0x3F98];
	s0 =	simm.s32 @p1 $0x1  }
0x15: {  	[smem:$0x3FB5] =	sst s0;
	s0 =	simm.s32 @!p2 $0x0  }
0x16: {  	s3 =	sld [smem:$0x3FDB];
	s0 =	simm.s32 @p2 $0x1  }
0x17: {  	s4 =	simm.s32 $0x1BF5;
	[smem:$0x3FB7] =	sst s0  }
0x18: {  	s0 =	sld [smem:$0x3F9A];
	_ =	swait.ge [sflag:s4], $0x0  }
0x19: {  	s7 =	sld [smem:$0x3F9B]  }
0x1a: {  	s8 =	sadd.s32 $0xFFFFE003, lr  }
0x1b: {  	s9 =	sadd.s32 $0xFFFFFEF7, lr;
	s5 =	simm.s32 $0xFFFFFFFF;
	p2 =	slt.u32 s8, $0xFFFFF086  }
0x1c: {  	p1 =	slt.u32 s9, $0xF7A;
	s5 =	simm.s32 @!p2 $0x0  }
0x1d: {  	s5 =	simm.s32 @p1 $0x1;
	p0 =	seq.s32 s7, s2  }
0x1e: {  	s7 =	smul.u32 @!p0 $0xF7A, s2;
	p2 =	seq.s32 @!p0 s5, $0x0  }
0x1f: {  	s9 =	smul.u32 $0xF7A, s1;
	s8 =	simm.s32 @!p0 $0x1BF5;
	p2 =	por !p2, p0  }
0x20: {  	[sflag:s8] =	ssyncset.s32 @!p0 $0xFFFFF086;
	s6 =	sadd.s32 @!p0 s3, s7;
	s7 =	simm.s32 @!p0 $0x108  }
0x21: {  	s3 =	sadd.s32 s3, s9;
	s6 =	sadd.s32 @!p0 $0x88, s6;
	s7 =	simm.s32 @p2 $0x1082  }
0x22: {  	[simem:s7], [sflag:s8] =	dma.local @!p0 [hbm:s6], $0xF7A  }
0x23: {  	s9 =	sor.u32 $0xD0000000, s2;
	s6 =	simm.s32 $0x108;
	_ =	swait.ge @!p0 [sflag:s8], $0x0  }
0x24: {  	s3 =	sadd.s32 $0x88, s3;
	s6 =	simm.s32 @!p1 $0x1082;
	[sflag:s4] =	ssyncset.s32 $0xFFFFF086  }
0x25: {  	[simem:s6], [sflag:s4] =	dma.local [hbm:s3], $0xF7A  }
0x26: {  	[smem:$0x3F9B] =	sst s1;
	(tag) =	ssettag s2;
	_ =	strace s9  }
0x27: {  	s1 =	sld [smem:$0x3FAB]  }
0x28: {  	s2 =	sld [smem:$0x3FAC]  }
0x29: {  	s4 =	sld [smem:$0x3FAE]  }
0x2a: {  	p0 =	seq.s32 s5, $0x0;
	s5 =	sld [smem:$0x3FAF]  }
0x2b: {  	s6 =	sld [smem:$0x3FB0]  }
0x2c: {  	s7 =	sld [smem:$0x3FB1]  }
0x2d: {  	s3 =	simm.s32 $0x108;
	s8 =	sld [smem:$0x3FB2]  }
0x2e: {  	s3 =	simm.s32 @!p0 $0x1082;
	s9 =	sld [smem:$0x3FB3]  }
0x2f: {  	lr =	sadd.s32 s0, s3;
	s0 =	sld [smem:$0x3FAA]  }
0x30: {  	s3 =	sld [smem:$0x3FAD]  }
0x31: {  	[smem:$0x3FB6] =	sst s10  }
0x32: {  	s10 =	sld [smem:$0x3FB4];
	_ =	sdelay $0x3  }
0x33: {  	p0 =	seq.s32 s10, $0x1;
	s10 =	sld [smem:$0x3FB6];
	_ =	sdelay $0x3  }
0x34: {  	[smem:$0x3FB6] =	sst s10  }
0x35: {  	s10 =	sld [smem:$0x3FB5];
	_ =	sdelay $0x3  }
0x36: {  	p1 =	seq.s32 s10, $0x1;
	s10 =	sld [smem:$0x3FB6];
	_ =	sdelay $0x3  }
0x37: {  	[smem:$0x3FB6] =	sst s10  }
0x38: {  	s10 =	sld [smem:$0x3FB7]  }
0x39: {  	_ = 	snop;
	(pc) =	sbr.ind lr, $3  }
0x3a: {  	_ = 	snop  }
0x3b: {  	_ = 	snop  }
0x3c: {  	p2 =	seq.s32 s10, $0x1;
	s10 =	sld [smem:$0x3FB6]  }
0x3d: {  	_ =	shalt  }
0x3e: {  	_ =	shalt  }
0x3f: {  	_ =	shalt  }
0x40: {  	_ =	shalt  }
0x41: {  	_ =	shalt  }
0x42: {  	_ =	shalt  }
0x43: {  	_ =	shalt  }
0x44: {  	_ =	shalt  }
0x45: {  	_ =	shalt  }
0x46: {  	_ =	shalt  }
0x47: {  	_ =	shalt  }
0x48: {  	_ =	shalt  }
0x49: {  	_ =	shalt  }
0x4a: {  	_ =	shalt  }
0x4b: {  	_ =	shalt  }
0x4c: {  	_ =	shalt  }
0x4d: {  	_ =	shalt  }
0x4e: {  	_ =	shalt  }
0x4f: {  	_ =	shalt  }
0x50: {  	_ =	shalt  }
0x51: {  	_ =	shalt  }
0x52: {  	_ =	shalt  }
0x53: {  	_ =	shalt  }
0x54: {  	_ =	shalt  }
0x55: {  	_ =	shalt  }
0x56: {  	_ =	shalt  }
0x57: {  	_ =	shalt  }
0x58: {  	_ =	shalt  }
0x59: {  	_ =	shalt  }
0x5a: {  	_ =	shalt  }
0x5b: {  	_ =	shalt  }
0x5c: {  	_ =	shalt  }
0x5d: {  	_ =	shalt  }
0x5e: {  	_ =	shalt  }
0x5f: {  	_ =	shalt  }
0x60: {  	_ =	shalt  }
0x61: {  	_ =	shalt  }
0x62: {  	_ =	shalt  }
0x63: {  	_ =	shalt  }
0x64: {  	_ =	shalt  }
0x65: {  	_ =	shalt  }
0x66: {  	_ =	shalt  }
0x67: {  	_ =	shalt  }
0x68: {  	_ =	shalt  }
0x69: {  	_ =	shalt  }
0x6a: {  	_ =	shalt  }
0x6b: {  	_ =	shalt  }
0x6c: {  	_ =	shalt  }
0x6d: {  	_ =	shalt  }
0x6e: {  	_ =	shalt  }
0x6f: {  	_ =	shalt  }
0x70: {  	_ =	shalt  }
0x71: {  	_ =	shalt  }
0x72: {  	_ =	shalt  }
0x73: {  	_ =	shalt  }
0x74: {  	_ =	shalt  }
0x75: {  	_ =	shalt  }
0x76: {  	_ =	shalt  }
0x77: {  	_ =	shalt  }
0x78: {  	_ =	shalt  }
0x79: {  	_ =	shalt  }
0x7a: {  	_ =	shalt  }
0x7b: {  	_ =	shalt  }
0x7c: {  	_ =	shalt  }
0x7d: {  	_ =	shalt  }
0x7e: {  	_ =	shalt  }
0x7f: {  	_ =	shalt  }
0x80: {  	_ =	shalt  }
0x81: {  	_ =	shalt  }
0x82: {  	_ =	shalt  }
0x83: {  	_ =	shalt  }
0x84: {  	_ =	shalt  }
0x85: {  	_ =	shalt  }
0x86: {  	_ =	shalt  }
0x87: {  	_ =	shalt  }
.Lfunc_end0:
.L_simem_size_0:
called_computation_lowered:
.L_overlay_start_0:
0x88: {  	s2 =	sld [smem:$0x3FD9]  }
0x89: {  	s3 =	sld [smem:$0x3FFE];
	_ =	sdelay $0x1  }
0x8a: {  	s1 =	srdreg.scid  }
0x8b: {  	s0 =	sand.u32 $0x1, s1  }
0x8c: {  	s17 =	sshll.u32 s0, $0xA;
	s2 =	sadd.s32 s3, s2  }
0x8d: {  	s2 =	sadd.s32 s2, s17  }
0x8e: {  	[smem:$0x3FC2] =	sst s2  }
0x8f: {  	_ = 	snop  }
0x90: {  	s2 =	sld [smem:$0x3FC9]  }
0x91: {  	s18 =	sld [smem:$0x3FD0];
	(tm) =	ssettm $0x1  }
0x92: {  	s4 =	sld [smem:$0x3FFB];
	_ =	sdelay $0x3  }
0x93: {  	_ =	strace s4  }
0x94: {  	s4 =	sld [smem:$0x3FFC];
	_ =	sdelay $0x3  }
0x95: {  	_ =	strace s4  }
0x96: {  	s4 =	sld [smem:$0x3FFD];
	_ =	sdelay $0x3  }
0x97: {  	_ =	strace s4  }
0x98: {  	_ =	strace $0x8FFFFFFF  }
0x99: {  	s19 =	sld [smem:$0x3FDB];
	_ =	sdelay $0x1  }
0x9a: {  	s5 =	simm.s32 $_scs_section_size  }
0x9b: {  	s6 =	simm.s32 $_size__tile_overlayer_lowered;
	s7 =	simm.s32 $_tile_overlayer_lowered  }
0x9c: {  	s22 =	simm.s32 $0x1BFF;
	s21 =	sshll.u32 s7, $0x1;
	s4 =	sadd.s32 s5, s19  }
0x9d: {  	s8 =	simm.s32 $0x0;
	s20 =	sshll.u32 s6, $0x1;
	s6 =	sadd.s32 s21, s4  }
0x9e: {  	[timem:s8], [sflag:s22] =	dma.local [hbm:s6], s20  }
0x9f: {  	_ =	swait.ge [sflag:s22], s20  }
0xa0: {  	s5 =	ssub.s32 $0x0, s20;
	[sflag:s22] =	ssyncset.done $0x0  }
0xa1: {  	[sflag:s22] =	ssyncadd.s32 s5;
	_ =	sdelay $0x1  }
0xa2: {  	s23 =	simm.s32 $0x1B8B  }
0xa3: {  	_ =	swait.ge [sflag:s23], $0x1  }
0xa4: {  	[sflag:s23] =	ssyncset.done $0x0  }
0xa5: {  	s25 =	simm.s32 $0x1B8E;
	s24 =	sld [smem:$0x3FFE];
	[sflag:s23] =	ssyncadd.s32 $0xFFFFFFFF  }
0xa6: {  	s26 =	simm.s32 $execute0_lowered;
	[smem:$0x3FD2] =	sst s25  }
0xa7: {  	s6 =	sshll.u32 s26, $0x1;
	_ =	strace $0x80000046;
	[dreg:$0x1] =	wrdreg $0xFFFFFFFF  }
0xa8: {  	s28 =	simm.s32 $_size_execute0_lowered;
	s4 =	sadd.s32 s4, s6;
	[dreg:$0x0] =	wrdreg $0x0  }
0xa9: {  	s6 =	sshll.u32 s28, $0x1;
	[dreg:$0x2] =	wrdreg s4  }
0xaa: {  	[dreg:$0x3] =	wrdreg s6  }
0xab: {  	[dreg:$0x4] =	wrdreg $0xC0  }
0xac: {  	_ =	task [dreg:s8], $0x5FFFF  }
0xad: {  	[dreg:$0x1] =	wrdreg $0xFFFFFFFF  }
0xae: {  	[dreg:$0x0] =	wrdreg $0x60  }
0xaf: {  	[dreg:$0x2] =	wrdreg s2  }
0xb0: {  	[dreg:$0x3] =	wrdreg s18  }
0xb1: {  	[dreg:$0x4] =	wrdreg s24  }
0xb2: {  	[dreg:$0x5] =	wrdreg $0x9  }
0xb3: {  	_ =	task.clear_ibuf [dreg:s8], $0x6FFFF;
	_ =	strace $0x90000046  }
0xb4: {  	s29 =	simm.s32 $0x9;
	_ =	strace $0x80000048  }
0xb5: {  	_ =	swait.ge [sflag:s29], $0x1  }
0xb6: {  	[sflag:s29] =	ssyncadd.s32 $0xFFFFFFFF  }
0xb7: {  	_ =	strace $0x90000048  }
0xb8: {  	_ =	sfence  }
0xb9: {  	s30 =	sld [smem:$0x0];
	_ =	sdelay $0x2  }
0xba: {  	s31 =	sshll.u32 s1, $0xD;
	s1 =	sshrl.u32 s1, $0x2  }
0xbb: {  	s3 =	sand.u32 $0x4000, s31;
	s1 =	sadd.s32 s1, s30  }
0xbc: {  	s0 =	sor.u32 s3, s0;
	s1 =	sshll.u32 s1, $0x11  }
0xbd: {  	s0 =	sor.u32 s1, s0  }
0xbe: {  	s0 =	sadd.s32 $0x8F2B, s0  }
0xbf: {  	[sflag:s0] =	ssyncadd.remote.s32 $0x1  }
0xc0: {  	_ =	sfence.sel $0xFFFF  }
0xc1: {  	[dreg:$0x0] =	wrdreg $0xFFFFFFFF;
	(pc) =	sbr.abs _section_cstart, $3  }
0xc2: {  	[dreg:$0x1] =	wrdreg $0xFFFFFFFF  }
0xc3: {  	_ =	task.clear_ibuf [dreg:s8], $0x2FFFF;
	_ =	strace $0x9FFFFFFF  }
0xc4: {  	(tm) =	ssettm $0x7FFFFFFF  }
0xc5: {  	_ =	shalt  }
tec
execute0_lowered:
.L_overlay_start_1:
0x0: {  	(tag) =	ssettag $0x1  }
0x1: {  	s0 =	rddreg [dreg:$0x0]  }
0x2: {  	s1 =	rddreg [dreg:$0x1]  }
0x3: {  	s4 =	rddreg [dreg:$0x2]  }
0x4: {  	s2 =	simm.s32 $0x0;
	s3 =	srdreg.scid;
	s6 =	stileid.u32  }
0x5: {  	s9 =	simm.s32 $0x3;
	s20 =	simm.s32 $0x2;
	s28 =	simm.s32 $0x2A00  }
0x6: {  	s29 =	simm.s32 $0x3200;
	s30 =	simm.s32 $0x3A00;
	s31 =	simm.s32 $0x4200  }
0x7: {  	s10 =	simm.s32 $0x4A00;
	s11 =	simm.s32 $0x5A00;
	s12 =	simm.s32 $0x6200  }
0x8: {  	s13 =	simm.s32 $0x6A00;
	s14 =	simm.s32 $0x7200;
	s15 =	simm.s32 $0x7A00  }
0x9: {  	s16 =	simm.s32 $0x8A00;
	s17 =	simm.s32 $0x9200;
	s18 =	simm.s32 $0x9A00  }
0xa: {  	s19 =	simm.s32 $0xA200;
	[smem:$0x7FF] =	sst s2;
	s5 =	sand.u32 $0x1, s3  }
0xb: {  	s22 =	sshll.u32 s6, $0x1;
	s3 =	sadd.s32 $0x1400, s4;
	_ =	strace $0x80000047  }
0xc: {  	s6 =	sor.u32 s5, s22;
	s5 =	ssub.s32 $0x2, s5;
	s22 =	simm.s32 $0xA00  }
0xd: {  	s7 =	sshll.u32 s6, $0x6;
	s6 =	sshll.u32 s6, $0xE;
	s23 =	sshrl.u32 s5, $0x1  }
0xe: {  	s1 =	sadd.s32 s1, s7;
	s6 =	sadd.s32 s0, s6;
	s0 =	ssub.s32 s5, s23  }
0xf: {  	s5 =	sadd.s32 $0x1500, s4;
	s7 =	sadd.s32 $0x1700, s4;
	[dreg:$0x4] =	wrdreg s1  }
0x10: {  	s23 =	simm.s32 $0x1200;
	s24 =	sadd.s32 $0x1000, s6;
	[dreg:$0x8] =	wrdreg s6  }
0x11: {  	s25 =	sadd.s32 $0x2000, s6;
	s26 =	sadd.s32 $0x3000, s6;
	[dreg:$0x5] =	wrdreg s24  }
0x12: {  	v2 =	vlaneseq.u32;
	s6 =	sadd.s32 $0x1600, s4;
	s8 =	smax.u32 s0, $0x1;
	[dreg:$0x6] =	wrdreg s25  }
0x13: {  	vm0 =	vmmov $0xffff;
	v1 =	vshrl.u32 v2, $0x3;
	s4 =	simm.s32 $0x1;
	s1 =	simm.s32 $0x5200;
	[dreg:$0x7] =	wrdreg s26  }
0x14: {  	v0 =	vand.u32 $0x7, v2;
	v2 =	vor.u32 $0x8, v2;
	v1 =	vmul.u32 $0x8, v1;
	s26 =	simm.s32 $0x200;
	s24 =	simm.s32 $0x1A00;
	s25 =	simm.s32 $0x2200  }
.LBB2_1:
0x15: {  	s21 =	rddreg [dreg:$0x4]  }
0x16: {  	[tilespmem:s2], [sflag:$0x3] =	stream.linear.gather [hbm4b:s21+s2], $0x200, $0x38;
	[tilespmem:$0x10200] =	vst v63  }
0x17: {  	_ =	swait.ge [sflag:s9], $0x200  }
0x18: {  	[sflag:s9] =	ssyncset.done $0x0  }
0x19: {  	s0 =	rddreg [dreg:$0x8];
	[sflag:s9] =	ssyncadd.s32 $0xFFFFFE00  }
0x1a: {  	[tilespmem:s26], [sflag:$0x3] =	stream.linear.gather [hbm4b:s0+s2], $0x8000, $0x38;
	[tilespmem:$0x10200] =	vst v63  }
0x1b: {  	_ =	swait.ge [sflag:s9], $0x8000  }
0x1c: {  	[sflag:s9] =	ssyncset.done $0x0  }
0x1d: {  	[sflag:s9] =	ssyncadd.s32 $0xFFFF8000  }
0x1e: {  	v3 =	vld [tilespmem:$0x0];
	_ =	sdelay $0x4  }
0x1f: {  	v4 =	vshll.u32 v3, $0x3  }
0x20: {  	v3 =	vand.u32 $0x7, v3;
	v4 =	vand.u32 $0xFFFFFFC0, v4  }
0x21: {  	v3 =	vor.u32 v3, v4  }
0x22: {  	v4 =	vperm.xlane v3, v0;
	_ =	sdelay $0x1  }
0x23: {  	v4 =	vadd.s32 v1, v4;
	_ =	sdelay $0x4  }
0x24: {  	[hbm4b:s3+s2] =	stream.indirect_vreg.scatter [tilespmem:s26], [sflag:$0x1], $0x80, v4, vm0, $0xb8;
	[tilespmem:$0x10200] =	vst v63  }
0x25: {  	v3 =	vperm.xlane v3, v2  }
0x26: {  	[hbm4b:s5+s2] =	stream.indirect_vreg.scatter [tilespmem:s22], [sflag:$0x1], $0x80, v4, vm0, $0xb8;
	[tilespmem:$0x10200] =	vst v63  }
0x27: {  	v3 =	vadd.s32 v1, v3  }
0x28: {  	[hbm4b:s6+s2] =	stream.indirect_vreg.scatter [tilespmem:s23], [sflag:$0x1], $0x80, v4, vm0, $0xb8;
	[tilespmem:$0x10200] =	vst v63  }
0x29: {  	_ = 	snop  }
0x2a: {  	[hbm4b:s7+s2] =	stream.indirect_vreg.scatter [tilespmem:s24], [sflag:$0x1], $0x80, v4, vm0, $0xb8;
	[tilespmem:$0x10200] =	vst v63  }
0x2b: {  	_ = 	snop  }
0x2c: {  	[hbm4b:s3+s2] =	stream.indirect_vreg.scatter [tilespmem:s25], [sflag:$0x1], $0x80, v3, vm0, $0xb8;
	[tilespmem:$0x10200] =	vst v63  }
0x2d: {  	_ = 	snop  }
0x2e: {  	[hbm4b:s5+s2] =	stream.indirect_vreg.scatter [tilespmem:s28], [sflag:$0x1], $0x80, v3, vm0, $0xb8;
	[tilespmem:$0x10200] =	vst v63  }
0x2f: {  	_ = 	snop  }
0x30: {  	[hbm4b:s6+s2] =	stream.indirect_vreg.scatter [tilespmem:s29], [sflag:$0x1], $0x80, v3, vm0, $0xb8;
	[tilespmem:$0x10200] =	vst v63  }
0x31: {  	_ = 	snop  }
0x32: {  	[hbm4b:s7+s2] =	stream.indirect_vreg.scatter [tilespmem:s30], [sflag:$0x1], $0x80, v3, vm0, $0xb8;
	[tilespmem:$0x10200] =	vst v63  }
0x33: {  	v3 =	vld [tilespmem:$0x10];
	_ =	sdelay $0x4  }
0x34: {  	v57 =	vshll.u32 v3, $0x3  }
0x35: {  	v3 =	vand.u32 $0x7, v3;
	v4 =	vand.u32 $0xFFFFFFC0, v57  }
0x36: {  	v3 =	vor.u32 v3, v4  }
0x37: {  	v4 =	vperm.xlane v3, v0;
	_ =	sdelay $0x1  }
0x38: {  	v4 =	vadd.s32 v1, v4;
	_ =	sdelay $0x4  }
0x39: {  	[hbm4b:s3+s2] =	stream.indirect_vreg.scatter [tilespmem:s31], [sflag:$0x1], $0x80, v4, vm0, $0xb8;
	[tilespmem:$0x10200] =	vst v63  }
0x3a: {  	v3 =	vperm.xlane v3, v2  }
0x3b: {  	[hbm4b:s5+s2] =	stream.indirect_vreg.scatter [tilespmem:s10], [sflag:$0x1], $0x80, v4, vm0, $0xb8;
	[tilespmem:$0x10200] =	vst v63  }
0x3c: {  	v3 =	vadd.s32 v1, v3  }
0x3d: {  	[hbm4b:s6+s2] =	stream.indirect_vreg.scatter [tilespmem:s1], [sflag:$0x1], $0x80, v4, vm0, $0xb8;
	[tilespmem:$0x10200] =	vst v63  }
0x3e: {  	_ = 	snop  }
0x3f: {  	[hbm4b:s7+s2] =	stream.indirect_vreg.scatter [tilespmem:s11], [sflag:$0x1], $0x80, v4, vm0, $0xb8;
	[tilespmem:$0x10200] =	vst v63  }
0x40: {  	_ = 	snop  }
0x41: {  	[hbm4b:s3+s2] =	stream.indirect_vreg.scatter [tilespmem:s12], [sflag:$0x1], $0x80, v3, vm0, $0xb8;
	[tilespmem:$0x10200] =	vst v63  }
0x42: {  	_ = 	snop  }
0x43: {  	[hbm4b:s5+s2] =	stream.indirect_vreg.scatter [tilespmem:s13], [sflag:$0x1], $0x80, v3, vm0, $0xb8;
	[tilespmem:$0x10200] =	vst v63  }
0x44: {  	_ = 	snop  }
0x45: {  	[hbm4b:s6+s2] =	stream.indirect_vreg.scatter [tilespmem:s14], [sflag:$0x1], $0x80, v3, vm0, $0xb8;
	[tilespmem:$0x10200] =	vst v63  }
0x46: {  	_ = 	snop  }
0x47: {  	[hbm4b:s7+s2] =	stream.indirect_vreg.scatter [tilespmem:s15], [sflag:$0x1], $0x80, v3, vm0, $0xb8;
	[tilespmem:$0x10200] =	vst v63  }
0x48: {  	s0 =	simm.s32 $0x8200;
	s21 =	rddreg [dreg:$0x5]  }
0x49: {  	[tilespmem:s0], [sflag:$0x3] =	stream.linear.gather [hbm4b:s21+s2], $0x8000, $0x38;
	[tilespmem:$0x10200] =	vst v63  }
0x4a: {  	_ =	swait.ge [sflag:s9], $0x8000  }
0x4b: {  	[sflag:s9] =	ssyncset.done $0x0  }
0x4c: {  	[sflag:s9] =	ssyncadd.s32 $0xFFFF8000  }
0x4d: {  	v3 =	vld [tilespmem:$0x80];
	_ =	sdelay $0x4  }
0x4e: {  	v58 =	vshll.u32 v3, $0x3  }
0x4f: {  	v3 =	vand.u32 $0x7, v3;
	v4 =	vand.u32 $0xFFFFFFC0, v58  }
0x50: {  	v3 =	vor.u32 v3, v4  }
0x51: {  	v4 =	vperm.xlane v3, v0;
	_ =	sdelay $0x1  }
0x52: {  	v4 =	vadd.s32 v1, v4;
	_ =	sdelay $0x4  }
0x53: {  	[hbm4b:s3+s2] =	stream.indirect_vreg.scatter [tilespmem:s0], [sflag:$0x2], $0x80, v4, vm0, $0xb8;
	[tilespmem:$0x10200] =	vst v63  }
0x54: {  	v3 =	vperm.xlane v3, v2  }
0x55: {  	[hbm4b:s5+s2] =	stream.indirect_vreg.scatter [tilespmem:s16], [sflag:$0x2], $0x80, v4, vm0, $0xb8;
	[tilespmem:$0x10200] =	vst v63  }
0x56: {  	v3 =	vadd.s32 v1, v3  }
0x57: {  	[hbm4b:s6+s2] =	stream.indirect_vreg.scatter [tilespmem:s17], [sflag:$0x2], $0x80, v4, vm0, $0xb8;
	[tilespmem:$0x10200] =	vst v63  }
0x58: {  	_ = 	snop  }
0x59: {  	[hbm4b:s7+s2] =	stream.indirect_vreg.scatter [tilespmem:s18], [sflag:$0x2], $0x80, v4, vm0, $0xb8;
	[tilespmem:$0x10200] =	vst v63  }
0x5a: {  	_ = 	snop  }
0x5b: {  	[hbm4b:s3+s2] =	stream.indirect_vreg.scatter [tilespmem:s19], [sflag:$0x2], $0x80, v3, vm0, $0xb8;
	[tilespmem:$0x10200] =	vst v63  }
0x5c: {  	s21 =	simm.s32 $0xAA00  }
0x5d: {  	[hbm4b:s5+s2] =	stream.indirect_vreg.scatter [tilespmem:s21], [sflag:$0x2], $0x80, v3, vm0, $0xb8;
	[tilespmem:$0x10200] =	vst v63  }
0x5e: {  	s21 =	simm.s32 $0xB200  }
0x5f: {  	[hbm4b:s6+s2] =	stream.indirect_vreg.scatter [tilespmem:s21], [sflag:$0x2], $0x80, v3, vm0, $0xb8;
	[tilespmem:$0x10200] =	vst v63  }
0x60: {  	s21 =	simm.s32 $0xBA00  }
0x61: {  	[hbm4b:s7+s2] =	stream.indirect_vreg.scatter [tilespmem:s21], [sflag:$0x2], $0x80, v3, vm0, $0xb8;
	[tilespmem:$0x10200] =	vst v63  }
0x62: {  	v3 =	vld [tilespmem:$0x90];
	_ =	sdelay $0x4  }
0x63: {  	v59 =	vshll.u32 v3, $0x3  }
0x64: {  	v3 =	vand.u32 $0x7, v3;
	v4 =	vand.u32 $0xFFFFFFC0, v59  }
0x65: {  	v3 =	vor.u32 v3, v4  }
0x66: {  	v4 =	vperm.xlane v3, v0;
	_ =	sdelay $0x1  }
0x67: {  	v4 =	vadd.s32 v1, v4;
	_ =	sdelay $0x3  }
0x68: {  	s21 =	simm.s32 $0xC200  }
0x69: {  	[hbm4b:s3+s2] =	stream.indirect_vreg.scatter [tilespmem:s21], [sflag:$0x2], $0x80, v4, vm0, $0xb8;
	[tilespmem:$0x10200] =	vst v63  }
0x6a: {  	v3 =	vperm.xlane v3, v2;
	s21 =	simm.s32 $0xCA00  }
0x6b: {  	[hbm4b:s5+s2] =	stream.indirect_vreg.scatter [tilespmem:s21], [sflag:$0x2], $0x80, v4, vm0, $0xb8;
	[tilespmem:$0x10200] =	vst v63  }
0x6c: {  	v3 =	vadd.s32 v1, v3;
	s21 =	simm.s32 $0xD200  }
0x6d: {  	[hbm4b:s6+s2] =	stream.indirect_vreg.scatter [tilespmem:s21], [sflag:$0x2], $0x80, v4, vm0, $0xb8;
	[tilespmem:$0x10200] =	vst v63  }
0x6e: {  	s21 =	simm.s32 $0xDA00  }
0x6f: {  	[hbm4b:s7+s2] =	stream.indirect_vreg.scatter [tilespmem:s21], [sflag:$0x2], $0x80, v4, vm0, $0xb8;
	[tilespmem:$0x10200] =	vst v63  }
0x70: {  	s21 =	simm.s32 $0xE200  }
0x71: {  	[hbm4b:s3+s2] =	stream.indirect_vreg.scatter [tilespmem:s21], [sflag:$0x2], $0x80, v3, vm0, $0xb8;
	[tilespmem:$0x10200] =	vst v63  }
0x72: {  	s21 =	simm.s32 $0xEA00  }
0x73: {  	[hbm4b:s5+s2] =	stream.indirect_vreg.scatter [tilespmem:s21], [sflag:$0x2], $0x80, v3, vm0, $0xb8;
	[tilespmem:$0x10200] =	vst v63  }
0x74: {  	s21 =	simm.s32 $0xF200  }
0x75: {  	[hbm4b:s6+s2] =	stream.indirect_vreg.scatter [tilespmem:s21], [sflag:$0x2], $0x80, v3, vm0, $0xb8;
	[tilespmem:$0x10200] =	vst v63  }
0x76: {  	s21 =	simm.s32 $0xFA00  }
0x77: {  	[hbm4b:s7+s2] =	stream.indirect_vreg.scatter [tilespmem:s21], [sflag:$0x2], $0x80, v3, vm0, $0xb8;
	[tilespmem:$0x10200] =	vst v63  }
0x78: {  	_ =	swait.ge [sflag:s4], $0x8000  }
0x79: {  	[sflag:s4] =	ssyncset.done $0x0  }
0x7a: {  	s21 =	rddreg [dreg:$0x6];
	[sflag:s4] =	ssyncadd.s32 $0xFFFF8000  }
0x7b: {  	[tilespmem:s26], [sflag:$0x3] =	stream.linear.gather [hbm4b:s21+s2], $0x8000, $0x38;
	[tilespmem:$0x10200] =	vst v63  }
0x7c: {  	_ =	swait.ge [sflag:s9], $0x8000  }
0x7d: {  	[sflag:s9] =	ssyncset.done $0x0  }
0x7e: {  	[sflag:s9] =	ssyncadd.s32 $0xFFFF8000  }
0x7f: {  	v3 =	vld [tilespmem:$0x100];
	_ =	sdelay $0x4  }
0x80: {  	v60 =	vshll.u32 v3, $0x3  }
0x81: {  	v3 =	vand.u32 $0x7, v3;
	v4 =	vand.u32 $0xFFFFFFC0, v60  }
0x82: {  	v3 =	vor.u32 v3, v4  }
0x83: {  	v4 =	vperm.xlane v3, v0;
	_ =	sdelay $0x1  }
0x84: {  	v4 =	vadd.s32 v1, v4;
	_ =	sdelay $0x4  }
0x85: {  	[hbm4b:s3+s2] =	stream.indirect_vreg.scatter [tilespmem:s26], [sflag:$0x1], $0x80, v4, vm0, $0xb8;
	[tilespmem:$0x10200] =	vst v63  }
0x86: {  	v3 =	vperm.xlane v3, v2  }
0x87: {  	[hbm4b:s5+s2] =	stream.indirect_vreg.scatter [tilespmem:s22], [sflag:$0x1], $0x80, v4, vm0, $0xb8;
	[tilespmem:$0x10200] =	vst v63  }
0x88: {  	v3 =	vadd.s32 v1, v3  }
0x89: {  	[hbm4b:s6+s2] =	stream.indirect_vreg.scatter [tilespmem:s23], [sflag:$0x1], $0x80, v4, vm0, $0xb8;
	[tilespmem:$0x10200] =	vst v63  }
0x8a: {  	_ = 	snop  }
0x8b: {  	[hbm4b:s7+s2] =	stream.indirect_vreg.scatter [tilespmem:s24], [sflag:$0x1], $0x80, v4, vm0, $0xb8;
	[tilespmem:$0x10200] =	vst v63  }
0x8c: {  	_ = 	snop  }
0x8d: {  	[hbm4b:s3+s2] =	stream.indirect_vreg.scatter [tilespmem:s25], [sflag:$0x1], $0x80, v3, vm0, $0xb8;
	[tilespmem:$0x10200] =	vst v63  }
0x8e: {  	_ = 	snop  }
0x8f: {  	[hbm4b:s5+s2] =	stream.indirect_vreg.scatter [tilespmem:s28], [sflag:$0x1], $0x80, v3, vm0, $0xb8;
	[tilespmem:$0x10200] =	vst v63  }
0x90: {  	_ = 	snop  }
0x91: {  	[hbm4b:s6+s2] =	stream.indirect_vreg.scatter [tilespmem:s29], [sflag:$0x1], $0x80, v3, vm0, $0xb8;
	[tilespmem:$0x10200] =	vst v63  }
0x92: {  	_ = 	snop  }
0x93: {  	[hbm4b:s7+s2] =	stream.indirect_vreg.scatter [tilespmem:s30], [sflag:$0x1], $0x80, v3, vm0, $0xb8;
	[tilespmem:$0x10200] =	vst v63  }
0x94: {  	v3 =	vld [tilespmem:$0x110];
	_ =	sdelay $0x4  }
0x95: {  	v61 =	vshll.u32 v3, $0x3  }
0x96: {  	v3 =	vand.u32 $0x7, v3;
	v4 =	vand.u32 $0xFFFFFFC0, v61  }
0x97: {  	v3 =	vor.u32 v3, v4  }
0x98: {  	v4 =	vperm.xlane v3, v0;
	_ =	sdelay $0x1  }
0x99: {  	v4 =	vadd.s32 v1, v4;
	_ =	sdelay $0x4  }
0x9a: {  	[hbm4b:s3+s2] =	stream.indirect_vreg.scatter [tilespmem:s31], [sflag:$0x1], $0x80, v4, vm0, $0xb8;
	[tilespmem:$0x10200] =	vst v63  }
0x9b: {  	v3 =	vperm.xlane v3, v2  }
0x9c: {  	[hbm4b:s5+s2] =	stream.indirect_vreg.scatter [tilespmem:s10], [sflag:$0x1], $0x80, v4, vm0, $0xb8;
	[tilespmem:$0x10200] =	vst v63  }
0x9d: {  	v3 =	vadd.s32 v1, v3  }
0x9e: {  	[hbm4b:s6+s2] =	stream.indirect_vreg.scatter [tilespmem:s1], [sflag:$0x1], $0x80, v4, vm0, $0xb8;
	[tilespmem:$0x10200] =	vst v63  }
0x9f: {  	_ = 	snop  }
0xa0: {  	[hbm4b:s7+s2] =	stream.indirect_vreg.scatter [tilespmem:s11], [sflag:$0x1], $0x80, v4, vm0, $0xb8;
	[tilespmem:$0x10200] =	vst v63  }
0xa1: {  	_ = 	snop  }
0xa2: {  	[hbm4b:s3+s2] =	stream.indirect_vreg.scatter [tilespmem:s12], [sflag:$0x1], $0x80, v3, vm0, $0xb8;
	[tilespmem:$0x10200] =	vst v63  }
0xa3: {  	_ = 	snop  }
0xa4: {  	[hbm4b:s5+s2] =	stream.indirect_vreg.scatter [tilespmem:s13], [sflag:$0x1], $0x80, v3, vm0, $0xb8;
	[tilespmem:$0x10200] =	vst v63  }
0xa5: {  	_ = 	snop  }
0xa6: {  	[hbm4b:s6+s2] =	stream.indirect_vreg.scatter [tilespmem:s14], [sflag:$0x1], $0x80, v3, vm0, $0xb8;
	[tilespmem:$0x10200] =	vst v63  }
0xa7: {  	_ = 	snop  }
0xa8: {  	[hbm4b:s7+s2] =	stream.indirect_vreg.scatter [tilespmem:s15], [sflag:$0x1], $0x80, v3, vm0, $0xb8;
	[tilespmem:$0x10200] =	vst v63  }
0xa9: {  	_ =	swait.ge [sflag:s20], $0x8000  }
0xaa: {  	[sflag:s20] =	ssyncset.done $0x0  }
0xab: {  	s21 =	rddreg [dreg:$0x7];
	[sflag:s20] =	ssyncadd.s32 $0xFFFF8000  }
0xac: {  	[tilespmem:s0], [sflag:$0x3] =	stream.linear.gather [hbm4b:s21+s2], $0x8000, $0x38;
	[tilespmem:$0x10200] =	vst v63  }
0xad: {  	_ =	swait.ge [sflag:s9], $0x8000  }
0xae: {  	[sflag:s9] =	ssyncset.done $0x0  }
0xaf: {  	[sflag:s9] =	ssyncadd.s32 $0xFFFF8000  }
0xb0: {  	v3 =	vld [tilespmem:$0x180];
	_ =	sdelay $0x4  }
0xb1: {  	v62 =	vshll.u32 v3, $0x3  }
0xb2: {  	v3 =	vand.u32 $0x7, v3;
	v4 =	vand.u32 $0xFFFFFFC0, v62  }
0xb3: {  	v3 =	vor.u32 v3, v4  }
0xb4: {  	v4 =	vperm.xlane v3, v0;
	_ =	sdelay $0x1  }
0xb5: {  	v4 =	vadd.s32 v1, v4;
	_ =	sdelay $0x4  }
0xb6: {  	[hbm4b:s3+s2] =	stream.indirect_vreg.scatter [tilespmem:s0], [sflag:$0x2], $0x80, v4, vm0, $0xb8;
	[tilespmem:$0x10200] =	vst v63  }
0xb7: {  	v3 =	vperm.xlane v3, v2  }
0xb8: {  	[hbm4b:s5+s2] =	stream.indirect_vreg.scatter [tilespmem:s16], [sflag:$0x2], $0x80, v4, vm0, $0xb8;
	[tilespmem:$0x10200] =	vst v63  }
0xb9: {  	v3 =	vadd.s32 v1, v3  }
0xba: {  	[hbm4b:s6+s2] =	stream.indirect_vreg.scatter [tilespmem:s17], [sflag:$0x2], $0x80, v4, vm0, $0xb8;
	[tilespmem:$0x10200] =	vst v63  }
0xbb: {  	_ = 	snop  }
0xbc: {  	[hbm4b:s7+s2] =	stream.indirect_vreg.scatter [tilespmem:s18], [sflag:$0x2], $0x80, v4, vm0, $0xb8;
	[tilespmem:$0x10200] =	vst v63  }
0xbd: {  	_ = 	snop  }
0xbe: {  	[hbm4b:s3+s2] =	stream.indirect_vreg.scatter [tilespmem:s19], [sflag:$0x2], $0x80, v3, vm0, $0xb8;
	[tilespmem:$0x10200] =	vst v63  }
0xbf: {  	s21 =	simm.s32 $0xAA00  }
0xc0: {  	[hbm4b:s5+s2] =	stream.indirect_vreg.scatter [tilespmem:s21], [sflag:$0x2], $0x80, v3, vm0, $0xb8;
	[tilespmem:$0x10200] =	vst v63  }
0xc1: {  	s21 =	simm.s32 $0xB200  }
0xc2: {  	[hbm4b:s6+s2] =	stream.indirect_vreg.scatter [tilespmem:s21], [sflag:$0x2], $0x80, v3, vm0, $0xb8;
	[tilespmem:$0x10200] =	vst v63  }
0xc3: {  	s21 =	simm.s32 $0xBA00  }
0xc4: {  	[hbm4b:s7+s2] =	stream.indirect_vreg.scatter [tilespmem:s21], [sflag:$0x2], $0x80, v3, vm0, $0xb8;
	[tilespmem:$0x10200] =	vst v63  }
0xc5: {  	v3 =	vld [tilespmem:$0x190];
	_ =	sdelay $0x4  }
0xc6: {  	v63 =	vshll.u32 v3, $0x3  }
0xc7: {  	v3 =	vand.u32 $0x7, v3;
	v4 =	vand.u32 $0xFFFFFFC0, v63  }
0xc8: {  	v3 =	vor.u32 v3, v4  }
0xc9: {  	v4 =	vperm.xlane v3, v0;
	_ =	sdelay $0x1  }
0xca: {  	v4 =	vadd.s32 v1, v4;
	_ =	sdelay $0x3  }
0xcb: {  	s21 =	simm.s32 $0xC200  }
0xcc: {  	[hbm4b:s3+s2] =	stream.indirect_vreg.scatter [tilespmem:s21], [sflag:$0x2], $0x80, v4, vm0, $0xb8;
	[tilespmem:$0x10200] =	vst v63  }
0xcd: {  	v3 =	vperm.xlane v3, v2;
	s21 =	simm.s32 $0xCA00  }
0xce: {  	[hbm4b:s5+s2] =	stream.indirect_vreg.scatter [tilespmem:s21], [sflag:$0x2], $0x80, v4, vm0, $0xb8;
	[tilespmem:$0x10200] =	vst v63  }
0xcf: {  	v3 =	vadd.s32 v1, v3;
	s21 =	simm.s32 $0xD200  }
0xd0: {  	[hbm4b:s6+s2] =	stream.indirect_vreg.scatter [tilespmem:s21], [sflag:$0x2], $0x80, v4, vm0, $0xb8;
	[tilespmem:$0x10200] =	vst v63  }
0xd1: {  	s21 =	simm.s32 $0xDA00  }
0xd2: {  	[hbm4b:s7+s2] =	stream.indirect_vreg.scatter [tilespmem:s21], [sflag:$0x2], $0x80, v4, vm0, $0xb8;
	[tilespmem:$0x10200] =	vst v63  }
0xd3: {  	s21 =	simm.s32 $0xE200  }
0xd4: {  	[hbm4b:s3+s2] =	stream.indirect_vreg.scatter [tilespmem:s21], [sflag:$0x2], $0x80, v3, vm0, $0xb8;
	[tilespmem:$0x10200] =	vst v63  }
0xd5: {  	s21 =	simm.s32 $0xEA00  }
0xd6: {  	[hbm4b:s5+s2] =	stream.indirect_vreg.scatter [tilespmem:s21], [sflag:$0x2], $0x80, v3, vm0, $0xb8;
	[tilespmem:$0x10200] =	vst v63  }
0xd7: {  	s21 =	simm.s32 $0xF200  }
0xd8: {  	[hbm4b:s6+s2] =	stream.indirect_vreg.scatter [tilespmem:s21], [sflag:$0x2], $0x80, v3, vm0, $0xb8;
	[tilespmem:$0x10200] =	vst v63  }
0xd9: {  	s21 =	simm.s32 $0xFA00  }
0xda: {  	[hbm4b:s7+s2] =	stream.indirect_vreg.scatter [tilespmem:s21], [sflag:$0x2], $0x80, v3, vm0, $0xb8;
	[tilespmem:$0x10200] =	vst v63  }
0xdb: {  	p0 =	sne.s32 s8, $0x1;
	_ =	swait.ge [sflag:s4], $0x8000  }
.Ltmp0:
0xdc: {  	[sflag:s4] =	ssyncset.done $0x0;
	(pc) =	sbr.rel @p0 .LBB2_1-.Ltmp0, $4  }
0xdd: {  	[sflag:s4] =	ssyncadd.s32 $0xFFFF8000  }
0xde: {  	_ =	swait.ge [sflag:s20], $0x8000  }
0xdf: {  	[sflag:s20] =	ssyncset.done $0x0  }
0xe0: {  	s8 =	sadd.s32 $0xFFFFFFFF, s8;
	[sflag:s20] =	ssyncadd.s32 $0xFFFF8000  }
0xe1: {  	_ =	sfence.sel $0x180000  }
0xe2: {  	[bflag:$0x0] =	sbarrier.arrive $0xFFFF  }
0xe3: {  	_ =	strace $0x90000047  }
0xe4: {  	s0 =	stileid.u32;
	[bflag:$0x2] =	sbarrier.arrive $0xFFFF  }
0xe5: {  	p0 =	sne.s32 s0, $0x0;
	s0 =	rddreg [dreg:$0x3]  }
0xe6: {  	s0 =	sadd.s32 @!p0 $0x100000, s0  }
0xe7: {  	[sflag:s0] =	ssyncadd.tile.s32 @!p0 $0x1;
	_ =	shalt  }
.Lfunc_end2:
_tile_overlayer_lowered:
.L_overlay_start_2:
0xe8: {  	(tag) =	ssettag $0x2  }
0xe9: {  	s0 =	rddreg [dreg:$0x0];
	s2 =	stileid.u32  }
0xea: {  	s1 =	rddreg [dreg:$0x1];
	p0 =	sne.s32 s2, $0x0  }
0xeb: {  	s3 =	rddreg [dreg:$0x2];
	[bflag:$0x3] =	sbarrier.arrive $0xFFFF;
	s2 =	simm.s32 @!p0 $0x1C03  }
0xec: {  	[timem:s3], [sflag:s2] =	dma.local @!p0 [hbm:s0], s1  }
0xed: {  	s0 =	simm.s32 @!p0 $0x3  }
0xee: {  	_ =	swait.ge @!p0 [sflag:s0], s1  }
0xef: {  	s1 =	ssub.s32 @!p0 $0x0, s1;
	[sflag:s0] =	ssyncset.done @!p0 $0x0  }
0xf0: {  	[sflag:s0] =	ssyncadd.s32 @!p0 s1  }
0xf1: {  	[bflag:$0x3] =	sbarrier.arrive $0xFFFF  }
0xf2: {  	_ =	shalt  }

// kernel: kernel.9.cloned.1.call-start
scs
__scs_entry_jumppad:
0x0: {  	(pc) =	sbr.rel $0x88, $3  }
0x1: {  	(tag) =	ssettag $0x0;
	lr =	simm.s32 $0x1  }
0x2: {  	[smem:$0x3F9B] =	sst lr;
	_ =	strace $0xD0000000  }
0x3: {  	_ = 	snop  }
0x4: {  	_ = 	snop  }
0x5: {  	_ = 	snop  }
0x6: {  	_ = 	snop  }
0x7: {  	_ = 	snop  }
__scs_overlays_trampoline_lowered:
0x8: {  	[smem:$0x3FAA] =	sst s0  }
0x9: {  	[smem:$0x3FAB] =	sst s1  }
0xa: {  	[smem:$0x3FAC] =	sst s2  }
0xb: {  	[smem:$0x3FAD] =	sst s3  }
0xc: {  	[smem:$0x3FAE] =	sst s4  }
0xd: {  	[smem:$0x3FAF] =	sst s5  }
0xe: {  	[smem:$0x3FB0] =	sst s6  }
0xf: {  	[smem:$0x3FB1] =	sst s7  }
0x10: {  	[smem:$0x3FB2] =	sst s8  }
0x11: {  	[smem:$0x3FB3] =	sst s9;
	s0 =	simm.s32 @!p0 $0x0  }
0x12: {  	s1 =	sld [smem:$0x3F99];
	s0 =	simm.s32 @p0 $0x1  }
0x13: {  	[smem:$0x3FB4] =	sst s0;
	s0 =	simm.s32 @!p1 $0x0  }
0x14: {  	s2 =	sld [smem:$0x3F98];
	s0 =	simm.s32 @p1 $0x1  }
0x15: {  	[smem:$0x3FB5] =	sst s0;
	s0 =	simm.s32 @!p2 $0x0  }
0x16: {  	s3 =	sld [smem:$0x3FDB];
	s0 =	simm.s32 @p2 $0x1  }
0x17: {  	s4 =	simm.s32 $0x1BF5;
	[smem:$0x3FB7] =	sst s0  }
0x18: {  	s0 =	sld [smem:$0x3F9A];
	_ =	swait.ge [sflag:s4], $0x0  }
0x19: {  	s7 =	sld [smem:$0x3F9B]  }
0x1a: {  	s8 =	sadd.s32 $0xFFFFE003, lr  }
0x1b: {  	s9 =	sadd.s32 $0xFFFFFEF7, lr;
	s5 =	simm.s32 $0xFFFFFFFF;
	p2 =	slt.u32 s8, $0xFFFFF086  }
0x1c: {  	p1 =	slt.u32 s9, $0xF7A;
	s5 =	simm.s32 @!p2 $0x0  }
0x1d: {  	s5 =	simm.s32 @p1 $0x1;
	p0 =	seq.s32 s7, s2  }
0x1e: {  	s7 =	smul.u32 @!p0 $0xF7A, s2;
	p2 =	seq.s32 @!p0 s5, $0x0  }
0x1f: {  	s9 =	smul.u32 $0xF7A, s1;
	s8 =	simm.s32 @!p0 $0x1BF5;
	p2 =	por !p2, p0  }
0x20: {  	[sflag:s8] =	ssyncset.s32 @!p0 $0xFFFFF086;
	s6 =	sadd.s32 @!p0 s3, s7;
	s7 =	simm.s32 @!p0 $0x108  }
0x21: {  	s3 =	sadd.s32 s3, s9;
	s6 =	sadd.s32 @!p0 $0x88, s6;
	s7 =	simm.s32 @p2 $0x1082  }
0x22: {  	[simem:s7], [sflag:s8] =	dma.local @!p0 [hbm:s6], $0xF7A  }
0x23: {  	s9 =	sor.u32 $0xD0000000, s2;
	s6 =	simm.s32 $0x108;
	_ =	swait.ge @!p0 [sflag:s8], $0x0  }
0x24: {  	s3 =	sadd.s32 $0x88, s3;
	s6 =	simm.s32 @!p1 $0x1082;
	[sflag:s4] =	ssyncset.s32 $0xFFFFF086  }
0x25: {  	[simem:s6], [sflag:s4] =	dma.local [hbm:s3], $0xF7A  }
0x26: {  	[smem:$0x3F9B] =	sst s1;
	(tag) =	ssettag s2;
	_ =	strace s9  }
0x27: {  	s1 =	sld [smem:$0x3FAB]  }
0x28: {  	s2 =	sld [smem:$0x3FAC]  }
0x29: {  	s4 =	sld [smem:$0x3FAE]  }
0x2a: {  	p0 =	seq.s32 s5, $0x0;
	s5 =	sld [smem:$0x3FAF]  }
0x2b: {  	s6 =	sld [smem:$0x3FB0]  }
0x2c: {  	s7 =	sld [smem:$0x3FB1]  }
0x2d: {  	s3 =	simm.s32 $0x108;
	s8 =	sld [smem:$0x3FB2]  }
0x2e: {  	s3 =	simm.s32 @!p0 $0x1082;
	s9 =	sld [smem:$0x3FB3]  }
0x2f: {  	lr =	sadd.s32 s0, s3;
	s0 =	sld [smem:$0x3FAA]  }
0x30: {  	s3 =	sld [smem:$0x3FAD]  }
0x31: {  	[smem:$0x3FB6] =	sst s10  }
0x32: {  	s10 =	sld [smem:$0x3FB4];
	_ =	sdelay $0x3  }
0x33: {  	p0 =	seq.s32 s10, $0x1;
	s10 =	sld [smem:$0x3FB6];
	_ =	sdelay $0x3  }
0x34: {  	[smem:$0x3FB6] =	sst s10  }
0x35: {  	s10 =	sld [smem:$0x3FB5];
	_ =	sdelay $0x3  }
0x36: {  	p1 =	seq.s32 s10, $0x1;
	s10 =	sld [smem:$0x3FB6];
	_ =	sdelay $0x3  }
0x37: {  	[smem:$0x3FB6] =	sst s10  }
0x38: {  	s10 =	sld [smem:$0x3FB7]  }
0x39: {  	_ = 	snop;
	(pc) =	sbr.ind lr, $3  }
0x3a: {  	_ = 	snop  }
0x3b: {  	_ = 	snop  }
0x3c: {  	p2 =	seq.s32 s10, $0x1;
	s10 =	sld [smem:$0x3FB6]  }
0x3d: {  	_ =	shalt  }
0x3e: {  	_ =	shalt  }
0x3f: {  	_ =	shalt  }
0x40: {  	_ =	shalt  }
0x41: {  	_ =	shalt  }
0x42: {  	_ =	shalt  }
0x43: {  	_ =	shalt  }
0x44: {  	_ =	shalt  }
0x45: {  	_ =	shalt  }
0x46: {  	_ =	shalt  }
0x47: {  	_ =	shalt  }
0x48: {  	_ =	shalt  }
0x49: {  	_ =	shalt  }
0x4a: {  	_ =	shalt  }
0x4b: {  	_ =	shalt  }
0x4c: {  	_ =	shalt  }
0x4d: {  	_ =	shalt  }
0x4e: {  	_ =	shalt  }
0x4f: {  	_ =	shalt  }
0x50: {  	_ =	shalt  }
0x51: {  	_ =	shalt  }
0x52: {  	_ =	shalt  }
0x53: {  	_ =	shalt  }
0x54: {  	_ =	shalt  }
0x55: {  	_ =	shalt  }
0x56: {  	_ =	shalt  }
0x57: {  	_ =	shalt  }
0x58: {  	_ =	shalt  }
0x59: {  	_ =	shalt  }
0x5a: {  	_ =	shalt  }
0x5b: {  	_ =	shalt  }
0x5c: {  	_ =	shalt  }
0x5d: {  	_ =	shalt  }
0x5e: {  	_ =	shalt  }
0x5f: {  	_ =	shalt  }
0x60: {  	_ =	shalt  }
0x61: {  	_ =	shalt  }
0x62: {  	_ =	shalt  }
0x63: {  	_ =	shalt  }
0x64: {  	_ =	shalt  }
0x65: {  	_ =	shalt  }
0x66: {  	_ =	shalt  }
0x67: {  	_ =	shalt  }
0x68: {  	_ =	shalt  }
0x69: {  	_ =	shalt  }
0x6a: {  	_ =	shalt  }
0x6b: {  	_ =	shalt  }
0x6c: {  	_ =	shalt  }
0x6d: {  	_ =	shalt  }
0x6e: {  	_ =	shalt  }
0x6f: {  	_ =	shalt  }
0x70: {  	_ =	shalt  }
0x71: {  	_ =	shalt  }
0x72: {  	_ =	shalt  }
0x73: {  	_ =	shalt  }
0x74: {  	_ =	shalt  }
0x75: {  	_ =	shalt  }
0x76: {  	_ =	shalt  }
0x77: {  	_ =	shalt  }
0x78: {  	_ =	shalt  }
0x79: {  	_ =	shalt  }
0x7a: {  	_ =	shalt  }
0x7b: {  	_ =	shalt  }
0x7c: {  	_ =	shalt  }
0x7d: {  	_ =	shalt  }
0x7e: {  	_ =	shalt  }
0x7f: {  	_ =	shalt  }
0x80: {  	_ =	shalt  }
0x81: {  	_ =	shalt  }
0x82: {  	_ =	shalt  }
0x83: {  	_ =	shalt  }
0x84: {  	_ =	shalt  }
0x85: {  	_ =	shalt  }
0x86: {  	_ =	shalt  }
0x87: {  	_ =	shalt  }
.Lfunc_end0:
.L_simem_size_0:
called_computation.1_lowered:
.L_overlay_start_0:
0x88: {  	s2 =	sld [smem:$0x3FD9]  }
0x89: {  	s3 =	sld [smem:$0x3FFE];
	_ =	sdelay $0x1  }
0x8a: {  	s1 =	srdreg.scid  }
0x8b: {  	s0 =	sand.u32 $0x1, s1  }
0x8c: {  	s17 =	sshll.u32 s0, $0xA;
	s2 =	sadd.s32 s3, s2  }
0x8d: {  	s2 =	sadd.s32 s2, s17  }
0x8e: {  	[smem:$0x3FC2] =	sst s2  }
0x8f: {  	_ = 	snop  }
0x90: {  	s2 =	sld [smem:$0x3FD0];
	(tm) =	ssettm $0x1  }
0x91: {  	s18 =	sld [smem:$0x3FFB];
	_ =	sdelay $0x3  }
0x92: {  	_ =	strace s18  }
0x93: {  	s3 =	sld [smem:$0x3FFC];
	_ =	sdelay $0x3  }
0x94: {  	_ =	strace s3  }
0x95: {  	s3 =	sld [smem:$0x3FFD];
	_ =	sdelay $0x3  }
0x96: {  	_ =	strace s3  }
0x97: {  	_ =	strace $0x8FFFFFFF  }
0x98: {  	s19 =	sld [smem:$0x3FDB];
	_ =	sdelay $0x1  }
0x99: {  	s4 =	simm.s32 $_scs_section_size  }
0x9a: {  	s5 =	simm.s32 $_size__tile_overlayer_lowered;
	s6 =	simm.s32 $_tile_overlayer_lowered  }
0x9b: {  	s22 =	simm.s32 $0x1BFF;
	s21 =	sshll.u32 s6, $0x1;
	s3 =	sadd.s32 s4, s19  }
0x9c: {  	s7 =	simm.s32 $0x0;
	s20 =	sshll.u32 s5, $0x1;
	s5 =	sadd.s32 s21, s3  }
0x9d: {  	[timem:s7], [sflag:s22] =	dma.local [hbm:s5], s20  }
0x9e: {  	_ =	swait.ge [sflag:s22], s20  }
0x9f: {  	s4 =	ssub.s32 $0x0, s20;
	[sflag:s22] =	ssyncset.done $0x0  }
0xa0: {  	[sflag:s22] =	ssyncadd.s32 s4;
	_ =	sdelay $0x1  }
0xa1: {  	s23 =	simm.s32 $0x1B8B  }
0xa2: {  	_ =	swait.ge [sflag:s23], $0x1  }
0xa3: {  	[sflag:s23] =	ssyncset.done $0x0  }
0xa4: {  	s25 =	simm.s32 $0x1B8E;
	s24 =	sld [smem:$0x3FFE];
	[sflag:s23] =	ssyncadd.s32 $0xFFFFFFFF  }
0xa5: {  	s26 =	simm.s32 $execute0_lowered;
	[smem:$0x3FD2] =	sst s25  }
0xa6: {  	s5 =	sshll.u32 s26, $0x1;
	_ =	strace $0x80000049;
	[dreg:$0x1] =	wrdreg $0xFFFFFFFF  }
0xa7: {  	s28 =	simm.s32 $_size_execute0_lowered;
	s3 =	sadd.s32 s3, s5;
	[dreg:$0x0] =	wrdreg $0x0  }
0xa8: {  	s5 =	sshll.u32 s28, $0x1;
	[dreg:$0x2] =	wrdreg s3  }
0xa9: {  	[dreg:$0x3] =	wrdreg s5  }
0xaa: {  	[dreg:$0x4] =	wrdreg $0xC0  }
0xab: {  	_ =	task [dreg:s7], $0x5FFFF  }
0xac: {  	[dreg:$0x1] =	wrdreg $0xFFFFFFFF  }
0xad: {  	[dreg:$0x0] =	wrdreg $0x60  }
0xae: {  	[dreg:$0x2] =	wrdreg s24  }
0xaf: {  	[dreg:$0x3] =	wrdreg s2  }
0xb0: {  	[dreg:$0x4] =	wrdreg $0x9  }
0xb1: {  	_ =	task.clear_ibuf [dreg:s7], $0x5FFFF;
	_ =	strace $0x90000049  }
0xb2: {  	s29 =	simm.s32 $0x9;
	_ =	strace $0x8000004B  }
0xb3: {  	_ =	swait.ge [sflag:s29], $0x1  }
0xb4: {  	[sflag:s29] =	ssyncadd.s32 $0xFFFFFFFF  }
0xb5: {  	_ =	strace $0x9000004B  }
0xb6: {  	_ =	sfence  }
0xb7: {  	s30 =	sld [smem:$0x0];
	_ =	sdelay $0x2  }
0xb8: {  	s31 =	sshll.u32 s1, $0xD;
	s1 =	sshrl.u32 s1, $0x2  }
0xb9: {  	s3 =	sand.u32 $0x4000, s31;
	s1 =	sadd.s32 s1, s30  }
0xba: {  	s0 =	sor.u32 s3, s0;
	s1 =	sshll.u32 s1, $0x11  }
0xbb: {  	s0 =	sor.u32 s1, s0  }
0xbc: {  	s0 =	sadd.s32 $0x8F2B, s0  }
0xbd: {  	[sflag:s0] =	ssyncadd.remote.s32 $0x1  }
0xbe: {  	_ =	sfence.sel $0xFFFF  }
0xbf: {  	[dreg:$0x0] =	wrdreg $0xFFFFFFFF;
	(pc) =	sbr.abs _section_cstart, $3  }
0xc0: {  	[dreg:$0x1] =	wrdreg $0xFFFFFFFF  }
0xc1: {  	_ =	task.clear_ibuf [dreg:s7], $0x2FFFF;
	_ =	strace $0x9FFFFFFF  }
0xc2: {  	(tm) =	ssettm $0x7FFFFFFF  }
0xc3: {  	_ =	shalt  }
tec
execute0_lowered:
.L_overlay_start_1:
0x0: {  	(tag) =	ssettag $0x1  }
0x1: {  	s0 =	rddreg [dreg:$0x0]  }
0x2: {  	s1 =	rddreg [dreg:$0x1]  }
0x3: {  	s2 =	srdreg.scid;
	s3 =	stileid.u32  }
0x4: {  	s9 =	simm.s32 $0x3;
	s10 =	simm.s32 $0x1;
	s20 =	simm.s32 $0x2  }
0x5: {  	s22 =	simm.s32 $0x880;
	s23 =	simm.s32 $0x1080;
	s28 =	simm.s32 $0x2880  }
0x6: {  	s29 =	simm.s32 $0x3080;
	s30 =	simm.s32 $0x3880;
	s31 =	simm.s32 $0x4080  }
0x7: {  	s11 =	simm.s32 $0x5880;
	s12 =	simm.s32 $0x6080;
	s13 =	simm.s32 $0x6880  }
0x8: {  	s14 =	simm.s32 $0x7080;
	s15 =	simm.s32 $0x7880;
	s16 =	simm.s32 $0x8880  }
0x9: {  	s17 =	simm.s32 $0x9080;
	s18 =	simm.s32 $0x9880;
	s19 =	simm.s32 $0xA080  }
0xa: {  	s4 =	sand.u32 $0x1, s2;
	s2 =	simm.s32 $0x0;
	s3 =	sshll.u32 s3, $0x8  }
0xb: {  	s5 =	sshll.u32 s4, $0x7;
	[smem:$0x7FF] =	sst s2;
	s4 =	ssub.s32 $0x2, s4  }
0xc: {  	s5 =	sor.u32 s5, s3;
	_ =	strace $0x8000004A;
	s3 =	sadd.s32 $0xC1400, s0  }
0xd: {  	s24 =	sshrl.u32 s4, $0x1;
	s6 =	sshrl.u32 s5, $0x3;
	s5 =	sshll.u32 s5, $0x7  }
0xe: {  	s6 =	sadd.s32 s6, s0;
	s7 =	sadd.s32 s1, s5;
	s1 =	ssub.s32 s4, s24  }
0xf: {  	s24 =	simm.s32 $0x1880;
	s4 =	simm.s32 $0x8080;
	s6 =	sadd.s32 $0x1200, s6  }
0x10: {  	s5 =	sadd.s32 $0x1000, s7;
	s25 =	sadd.s32 $0x2000, s7;
	[dreg:$0x7] =	wrdreg s7  }
0x11: {  	s26 =	sadd.s32 $0x3000, s7;
	s7 =	sadd.s32 $0xC1700, s0;
	[dreg:$0x3] =	wrdreg s6  }
0x12: {  	v2 =	vlaneseq.u32;
	s8 =	smax.u32 s1, $0x1;
	s1 =	simm.s32 $0x5080;
	[dreg:$0x4] =	wrdreg s5  }
0x13: {  	vm0 =	vmmov $0xffff;
	v1 =	vshrl.u32 v2, $0x3;
	s5 =	sadd.s32 $0xC1500, s0;
	[dreg:$0x5] =	wrdreg s25;
	s6 =	sadd.s32 $0xC1600, s0  }
0x14: {  	v0 =	vand.u32 $0x7, v2;
	v2 =	vor.u32 $0x8, v2;
	v1 =	vmul.u32 $0x8, v1;
	[dreg:$0x6] =	wrdreg s26;
	s26 =	simm.s32 $0x80;
	s25 =	simm.s32 $0x2080  }
.LBB2_1:
0x15: {  	s21 =	rddreg [dreg:$0x3]  }
0x16: {  	[tilespmem:s2], [sflag:$0x3] =	stream.linear.gather [hbm4b:s21+s2], $0x80, $0x38;
	[tilespmem:$0x10080] =	vst v63  }
0x17: {  	_ =	swait.ge [sflag:s9], $0x80  }
0x18: {  	[sflag:s9] =	ssyncset.done $0x0  }
0x19: {  	[sflag:s9] =	ssyncadd.s32 $0xFFFFFF80  }
0x1a: {  	v3 =	vld [tilespmem:$0x0];
	_ =	sdelay $0x4  }
0x1b: {  	v4 =	vshll.u32 v3, $0x3  }
0x1c: {  	v3 =	vand.u32 $0x7, v3;
	v4 =	vand.u32 $0xFFFFFFC0, v4  }
0x1d: {  	v3 =	vor.u32 v3, v4  }
0x1e: {  	v4 =	vperm.xlane v3, v0;
	_ =	sdelay $0x1  }
0x1f: {  	v4 =	vadd.s32 v1, v4;
	_ =	sdelay $0x4  }
0x20: {  	[tilespmem:s26], [sflag:$0x1] =	stream.indirect_vreg.gather [hbm4b:s3+s2], $0x80, v4, vm0, $0xb8;
	[tilespmem:$0x10080] =	vst v63  }
0x21: {  	v3 =	vperm.xlane v3, v2  }
0x22: {  	[tilespmem:s22], [sflag:$0x1] =	stream.indirect_vreg.gather [hbm4b:s5+s2], $0x80, v4, vm0, $0xb8;
	[tilespmem:$0x10080] =	vst v63  }
0x23: {  	v3 =	vadd.s32 v1, v3  }
0x24: {  	[tilespmem:s23], [sflag:$0x1] =	stream.indirect_vreg.gather [hbm4b:s6+s2], $0x80, v4, vm0, $0xb8;
	[tilespmem:$0x10080] =	vst v63  }
0x25: {  	_ = 	snop  }
0x26: {  	[tilespmem:s24], [sflag:$0x1] =	stream.indirect_vreg.gather [hbm4b:s7+s2], $0x80, v4, vm0, $0xb8;
	[tilespmem:$0x10080] =	vst v63  }
0x27: {  	_ = 	snop  }
0x28: {  	[tilespmem:s25], [sflag:$0x1] =	stream.indirect_vreg.gather [hbm4b:s3+s2], $0x80, v3, vm0, $0xb8;
	[tilespmem:$0x10080] =	vst v63  }
0x29: {  	_ = 	snop  }
0x2a: {  	[tilespmem:s28], [sflag:$0x1] =	stream.indirect_vreg.gather [hbm4b:s5+s2], $0x80, v3, vm0, $0xb8;
	[tilespmem:$0x10080] =	vst v63  }
0x2b: {  	_ = 	snop  }
0x2c: {  	[tilespmem:s29], [sflag:$0x1] =	stream.indirect_vreg.gather [hbm4b:s6+s2], $0x80, v3, vm0, $0xb8;
	[tilespmem:$0x10080] =	vst v63  }
0x2d: {  	_ = 	snop  }
0x2e: {  	[tilespmem:s30], [sflag:$0x1] =	stream.indirect_vreg.gather [hbm4b:s7+s2], $0x80, v3, vm0, $0xb8;
	[tilespmem:$0x10080] =	vst v63  }
0x2f: {  	v3 =	vld [tilespmem:$0x10];
	_ =	sdelay $0x4  }
0x30: {  	v57 =	vshll.u32 v3, $0x3  }
0x31: {  	v3 =	vand.u32 $0x7, v3;
	v4 =	vand.u32 $0xFFFFFFC0, v57  }
0x32: {  	v3 =	vor.u32 v3, v4  }
0x33: {  	v4 =	vperm.xlane v3, v0;
	_ =	sdelay $0x1  }
0x34: {  	v4 =	vadd.s32 v1, v4;
	_ =	sdelay $0x4  }
0x35: {  	[tilespmem:s31], [sflag:$0x1] =	stream.indirect_vreg.gather [hbm4b:s3+s2], $0x80, v4, vm0, $0xb8;
	[tilespmem:$0x10080] =	vst v63  }
0x36: {  	s0 =	simm.s32 $0x4880;
	v3 =	vperm.xlane v3, v2  }
0x37: {  	[tilespmem:s0], [sflag:$0x1] =	stream.indirect_vreg.gather [hbm4b:s5+s2], $0x80, v4, vm0, $0xb8;
	[tilespmem:$0x10080] =	vst v63  }
0x38: {  	v3 =	vadd.s32 v1, v3  }
0x39: {  	[tilespmem:s1], [sflag:$0x1] =	stream.indirect_vreg.gather [hbm4b:s6+s2], $0x80, v4, vm0, $0xb8;
	[tilespmem:$0x10080] =	vst v63  }
0x3a: {  	_ = 	snop  }
0x3b: {  	[tilespmem:s11], [sflag:$0x1] =	stream.indirect_vreg.gather [hbm4b:s7+s2], $0x80, v4, vm0, $0xb8;
	[tilespmem:$0x10080] =	vst v63  }
0x3c: {  	_ = 	snop  }
0x3d: {  	[tilespmem:s12], [sflag:$0x1] =	stream.indirect_vreg.gather [hbm4b:s3+s2], $0x80, v3, vm0, $0xb8;
	[tilespmem:$0x10080] =	vst v63  }
0x3e: {  	_ = 	snop  }
0x3f: {  	[tilespmem:s13], [sflag:$0x1] =	stream.indirect_vreg.gather [hbm4b:s5+s2], $0x80, v3, vm0, $0xb8;
	[tilespmem:$0x10080] =	vst v63  }
0x40: {  	_ = 	snop  }
0x41: {  	[tilespmem:s14], [sflag:$0x1] =	stream.indirect_vreg.gather [hbm4b:s6+s2], $0x80, v3, vm0, $0xb8;
	[tilespmem:$0x10080] =	vst v63  }
0x42: {  	_ = 	snop  }
0x43: {  	[tilespmem:s15], [sflag:$0x1] =	stream.indirect_vreg.gather [hbm4b:s7+s2], $0x80, v3, vm0, $0xb8;
	[tilespmem:$0x10080] =	vst v63  }
0x44: {  	v3 =	vld [tilespmem:$0x20];
	_ =	sdelay $0x4  }
0x45: {  	v58 =	vshll.u32 v3, $0x3  }
0x46: {  	v3 =	vand.u32 $0x7, v3;
	v4 =	vand.u32 $0xFFFFFFC0, v58  }
0x47: {  	v3 =	vor.u32 v3, v4  }
0x48: {  	v4 =	vperm.xlane v3, v0;
	_ =	sdelay $0x1  }
0x49: {  	v4 =	vadd.s32 v1, v4;
	_ =	sdelay $0x4  }
0x4a: {  	[tilespmem:s4], [sflag:$0x2] =	stream.indirect_vreg.gather [hbm4b:s3+s2], $0x80, v4, vm0, $0xb8;
	[tilespmem:$0x10080] =	vst v63  }
0x4b: {  	v3 =	vperm.xlane v3, v2  }
0x4c: {  	[tilespmem:s16], [sflag:$0x2] =	stream.indirect_vreg.gather [hbm4b:s5+s2], $0x80, v4, vm0, $0xb8;
	[tilespmem:$0x10080] =	vst v63  }
0x4d: {  	v3 =	vadd.s32 v1, v3  }
0x4e: {  	[tilespmem:s17], [sflag:$0x2] =	stream.indirect_vreg.gather [hbm4b:s6+s2], $0x80, v4, vm0, $0xb8;
	[tilespmem:$0x10080] =	vst v63  }
0x4f: {  	_ = 	snop  }
0x50: {  	[tilespmem:s18], [sflag:$0x2] =	stream.indirect_vreg.gather [hbm4b:s7+s2], $0x80, v4, vm0, $0xb8;
	[tilespmem:$0x10080] =	vst v63  }
0x51: {  	_ = 	snop  }
0x52: {  	[tilespmem:s19], [sflag:$0x2] =	stream.indirect_vreg.gather [hbm4b:s3+s2], $0x80, v3, vm0, $0xb8;
	[tilespmem:$0x10080] =	vst v63  }
0x53: {  	s21 =	simm.s32 $0xA880  }
0x54: {  	[tilespmem:s21], [sflag:$0x2] =	stream.indirect_vreg.gather [hbm4b:s5+s2], $0x80, v3, vm0, $0xb8;
	[tilespmem:$0x10080] =	vst v63  }
0x55: {  	s21 =	simm.s32 $0xB080  }
0x56: {  	[tilespmem:s21], [sflag:$0x2] =	stream.indirect_vreg.gather [hbm4b:s6+s2], $0x80, v3, vm0, $0xb8;
	[tilespmem:$0x10080] =	vst v63  }
0x57: {  	s21 =	simm.s32 $0xB880  }
0x58: {  	[tilespmem:s21], [sflag:$0x2] =	stream.indirect_vreg.gather [hbm4b:s7+s2], $0x80, v3, vm0, $0xb8;
	[tilespmem:$0x10080] =	vst v63  }
0x59: {  	v3 =	vld [tilespmem:$0x30];
	_ =	sdelay $0x4  }
0x5a: {  	v59 =	vshll.u32 v3, $0x3  }
0x5b: {  	v3 =	vand.u32 $0x7, v3;
	v4 =	vand.u32 $0xFFFFFFC0, v59  }
0x5c: {  	v3 =	vor.u32 v3, v4  }
0x5d: {  	v4 =	vperm.xlane v3, v0;
	_ =	sdelay $0x1  }
0x5e: {  	v4 =	vadd.s32 v1, v4;
	_ =	sdelay $0x3  }
0x5f: {  	s21 =	simm.s32 $0xC080  }
0x60: {  	[tilespmem:s21], [sflag:$0x2] =	stream.indirect_vreg.gather [hbm4b:s3+s2], $0x80, v4, vm0, $0xb8;
	[tilespmem:$0x10080] =	vst v63  }
0x61: {  	v3 =	vperm.xlane v3, v2;
	s21 =	simm.s32 $0xC880  }
0x62: {  	[tilespmem:s21], [sflag:$0x2] =	stream.indirect_vreg.gather [hbm4b:s5+s2], $0x80, v4, vm0, $0xb8;
	[tilespmem:$0x10080] =	vst v63  }
0x63: {  	v3 =	vadd.s32 v1, v3;
	s21 =	simm.s32 $0xD080  }
0x64: {  	[tilespmem:s21], [sflag:$0x2] =	stream.indirect_vreg.gather [hbm4b:s6+s2], $0x80, v4, vm0, $0xb8;
	[tilespmem:$0x10080] =	vst v63  }
0x65: {  	s21 =	simm.s32 $0xD880  }
0x66: {  	[tilespmem:s21], [sflag:$0x2] =	stream.indirect_vreg.gather [hbm4b:s7+s2], $0x80, v4, vm0, $0xb8;
	[tilespmem:$0x10080] =	vst v63  }
0x67: {  	s21 =	simm.s32 $0xE080  }
0x68: {  	[tilespmem:s21], [sflag:$0x2] =	stream.indirect_vreg.gather [hbm4b:s3+s2], $0x80, v3, vm0, $0xb8;
	[tilespmem:$0x10080] =	vst v63  }
0x69: {  	s21 =	simm.s32 $0xE880  }
0x6a: {  	[tilespmem:s21], [sflag:$0x2] =	stream.indirect_vreg.gather [hbm4b:s5+s2], $0x80, v3, vm0, $0xb8;
	[tilespmem:$0x10080] =	vst v63  }
0x6b: {  	s21 =	simm.s32 $0xF080  }
0x6c: {  	[tilespmem:s21], [sflag:$0x2] =	stream.indirect_vreg.gather [hbm4b:s6+s2], $0x80, v3, vm0, $0xb8;
	[tilespmem:$0x10080] =	vst v63  }
0x6d: {  	s21 =	simm.s32 $0xF880  }
0x6e: {  	[tilespmem:s21], [sflag:$0x2] =	stream.indirect_vreg.gather [hbm4b:s7+s2], $0x80, v3, vm0, $0xb8;
	[tilespmem:$0x10080] =	vst v63  }
0x6f: {  	_ =	swait.ge [sflag:s10], $0x8000  }
0x70: {  	[sflag:s10] =	ssyncset.done $0x0  }
0x71: {  	s21 =	rddreg [dreg:$0x7];
	[sflag:s10] =	ssyncadd.s32 $0xFFFF8000  }
0x72: {  	[hbm4b:s21+s2] =	stream.linear.scatter [tilespmem:s26], [sflag:$0x3], $0x8000, $0x38;
	[tilespmem:$0x10080] =	vst v63  }
0x73: {  	_ =	swait.ge [sflag:s9], $0x8000  }
0x74: {  	[sflag:s9] =	ssyncset.done $0x0  }
0x75: {  	[sflag:s9] =	ssyncadd.s32 $0xFFFF8000  }
0x76: {  	v3 =	vld [tilespmem:$0x40];
	_ =	sdelay $0x4  }
0x77: {  	v60 =	vshll.u32 v3, $0x3  }
0x78: {  	v3 =	vand.u32 $0x7, v3;
	v4 =	vand.u32 $0xFFFFFFC0, v60  }
0x79: {  	v3 =	vor.u32 v3, v4  }
0x7a: {  	v4 =	vperm.xlane v3, v0;
	_ =	sdelay $0x1  }
0x7b: {  	v4 =	vadd.s32 v1, v4;
	_ =	sdelay $0x4  }
0x7c: {  	[tilespmem:s26], [sflag:$0x1] =	stream.indirect_vreg.gather [hbm4b:s3+s2], $0x80, v4, vm0, $0xb8;
	[tilespmem:$0x10080] =	vst v63  }
0x7d: {  	v3 =	vperm.xlane v3, v2  }
0x7e: {  	[tilespmem:s22], [sflag:$0x1] =	stream.indirect_vreg.gather [hbm4b:s5+s2], $0x80, v4, vm0, $0xb8;
	[tilespmem:$0x10080] =	vst v63  }
0x7f: {  	v3 =	vadd.s32 v1, v3  }
0x80: {  	[tilespmem:s23], [sflag:$0x1] =	stream.indirect_vreg.gather [hbm4b:s6+s2], $0x80, v4, vm0, $0xb8;
	[tilespmem:$0x10080] =	vst v63  }
0x81: {  	_ = 	snop  }
0x82: {  	[tilespmem:s24], [sflag:$0x1] =	stream.indirect_vreg.gather [hbm4b:s7+s2], $0x80, v4, vm0, $0xb8;
	[tilespmem:$0x10080] =	vst v63  }
0x83: {  	_ = 	snop  }
0x84: {  	[tilespmem:s25], [sflag:$0x1] =	stream.indirect_vreg.gather [hbm4b:s3+s2], $0x80, v3, vm0, $0xb8;
	[tilespmem:$0x10080] =	vst v63  }
0x85: {  	_ = 	snop  }
0x86: {  	[tilespmem:s28], [sflag:$0x1] =	stream.indirect_vreg.gather [hbm4b:s5+s2], $0x80, v3, vm0, $0xb8;
	[tilespmem:$0x10080] =	vst v63  }
0x87: {  	_ = 	snop  }
0x88: {  	[tilespmem:s29], [sflag:$0x1] =	stream.indirect_vreg.gather [hbm4b:s6+s2], $0x80, v3, vm0, $0xb8;
	[tilespmem:$0x10080] =	vst v63  }
0x89: {  	_ = 	snop  }
0x8a: {  	[tilespmem:s30], [sflag:$0x1] =	stream.indirect_vreg.gather [hbm4b:s7+s2], $0x80, v3, vm0, $0xb8;
	[tilespmem:$0x10080] =	vst v63  }
0x8b: {  	v3 =	vld [tilespmem:$0x50];
	_ =	sdelay $0x4  }
0x8c: {  	v61 =	vshll.u32 v3, $0x3  }
0x8d: {  	v3 =	vand.u32 $0x7, v3;
	v4 =	vand.u32 $0xFFFFFFC0, v61  }
0x8e: {  	v3 =	vor.u32 v3, v4  }
0x8f: {  	v4 =	vperm.xlane v3, v0;
	_ =	sdelay $0x1  }
0x90: {  	v4 =	vadd.s32 v1, v4;
	_ =	sdelay $0x4  }
0x91: {  	[tilespmem:s31], [sflag:$0x1] =	stream.indirect_vreg.gather [hbm4b:s3+s2], $0x80, v4, vm0, $0xb8;
	[tilespmem:$0x10080] =	vst v63  }
0x92: {  	v3 =	vperm.xlane v3, v2  }
0x93: {  	[tilespmem:s0], [sflag:$0x1] =	stream.indirect_vreg.gather [hbm4b:s5+s2], $0x80, v4, vm0, $0xb8;
	[tilespmem:$0x10080] =	vst v63  }
0x94: {  	v3 =	vadd.s32 v1, v3  }
0x95: {  	[tilespmem:s1], [sflag:$0x1] =	stream.indirect_vreg.gather [hbm4b:s6+s2], $0x80, v4, vm0, $0xb8;
	[tilespmem:$0x10080] =	vst v63  }
0x96: {  	_ = 	snop  }
0x97: {  	[tilespmem:s11], [sflag:$0x1] =	stream.indirect_vreg.gather [hbm4b:s7+s2], $0x80, v4, vm0, $0xb8;
	[tilespmem:$0x10080] =	vst v63  }
0x98: {  	_ = 	snop  }
0x99: {  	[tilespmem:s12], [sflag:$0x1] =	stream.indirect_vreg.gather [hbm4b:s3+s2], $0x80, v3, vm0, $0xb8;
	[tilespmem:$0x10080] =	vst v63  }
0x9a: {  	_ = 	snop  }
0x9b: {  	[tilespmem:s13], [sflag:$0x1] =	stream.indirect_vreg.gather [hbm4b:s5+s2], $0x80, v3, vm0, $0xb8;
	[tilespmem:$0x10080] =	vst v63  }
0x9c: {  	_ = 	snop  }
0x9d: {  	[tilespmem:s14], [sflag:$0x1] =	stream.indirect_vreg.gather [hbm4b:s6+s2], $0x80, v3, vm0, $0xb8;
	[tilespmem:$0x10080] =	vst v63  }
0x9e: {  	_ = 	snop  }
0x9f: {  	[tilespmem:s15], [sflag:$0x1] =	stream.indirect_vreg.gather [hbm4b:s7+s2], $0x80, v3, vm0, $0xb8;
	[tilespmem:$0x10080] =	vst v63  }
0xa0: {  	_ =	swait.ge [sflag:s20], $0x8000  }
0xa1: {  	[sflag:s20] =	ssyncset.done $0x0  }
0xa2: {  	s0 =	rddreg [dreg:$0x4];
	[sflag:s20] =	ssyncadd.s32 $0xFFFF8000  }
0xa3: {  	[hbm4b:s0+s2] =	stream.linear.scatter [tilespmem:s4], [sflag:$0x3], $0x8000, $0x38;
	[tilespmem:$0x10080] =	vst v63  }
0xa4: {  	_ =	swait.ge [sflag:s9], $0x8000  }
0xa5: {  	[sflag:s9] =	ssyncset.done $0x0  }
0xa6: {  	[sflag:s9] =	ssyncadd.s32 $0xFFFF8000  }
0xa7: {  	v3 =	vld [tilespmem:$0x60];
	_ =	sdelay $0x4  }
0xa8: {  	v62 =	vshll.u32 v3, $0x3  }
0xa9: {  	v3 =	vand.u32 $0x7, v3;
	v4 =	vand.u32 $0xFFFFFFC0, v62  }
0xaa: {  	v3 =	vor.u32 v3, v4  }
0xab: {  	v4 =	vperm.xlane v3, v0;
	_ =	sdelay $0x1  }
0xac: {  	v4 =	vadd.s32 v1, v4;
	_ =	sdelay $0x4  }
0xad: {  	[tilespmem:s4], [sflag:$0x2] =	stream.indirect_vreg.gather [hbm4b:s3+s2], $0x80, v4, vm0, $0xb8;
	[tilespmem:$0x10080] =	vst v63  }
0xae: {  	v3 =	vperm.xlane v3, v2  }
0xaf: {  	[tilespmem:s16], [sflag:$0x2] =	stream.indirect_vreg.gather [hbm4b:s5+s2], $0x80, v4, vm0, $0xb8;
	[tilespmem:$0x10080] =	vst v63  }
0xb0: {  	v3 =	vadd.s32 v1, v3  }
0xb1: {  	[tilespmem:s17], [sflag:$0x2] =	stream.indirect_vreg.gather [hbm4b:s6+s2], $0x80, v4, vm0, $0xb8;
	[tilespmem:$0x10080] =	vst v63  }
0xb2: {  	_ = 	snop  }
0xb3: {  	[tilespmem:s18], [sflag:$0x2] =	stream.indirect_vreg.gather [hbm4b:s7+s2], $0x80, v4, vm0, $0xb8;
	[tilespmem:$0x10080] =	vst v63  }
0xb4: {  	_ = 	snop  }
0xb5: {  	[tilespmem:s19], [sflag:$0x2] =	stream.indirect_vreg.gather [hbm4b:s3+s2], $0x80, v3, vm0, $0xb8;
	[tilespmem:$0x10080] =	vst v63  }
0xb6: {  	s21 =	simm.s32 $0xA880  }
0xb7: {  	[tilespmem:s21], [sflag:$0x2] =	stream.indirect_vreg.gather [hbm4b:s5+s2], $0x80, v3, vm0, $0xb8;
	[tilespmem:$0x10080] =	vst v63  }
0xb8: {  	s21 =	simm.s32 $0xB080  }
0xb9: {  	[tilespmem:s21], [sflag:$0x2] =	stream.indirect_vreg.gather [hbm4b:s6+s2], $0x80, v3, vm0, $0xb8;
	[tilespmem:$0x10080] =	vst v63  }
0xba: {  	s21 =	simm.s32 $0xB880  }
0xbb: {  	[tilespmem:s21], [sflag:$0x2] =	stream.indirect_vreg.gather [hbm4b:s7+s2], $0x80, v3, vm0, $0xb8;
	[tilespmem:$0x10080] =	vst v63  }
0xbc: {  	v3 =	vld [tilespmem:$0x70];
	_ =	sdelay $0x4  }
0xbd: {  	v63 =	vshll.u32 v3, $0x3  }
0xbe: {  	v3 =	vand.u32 $0x7, v3;
	v4 =	vand.u32 $0xFFFFFFC0, v63  }
0xbf: {  	v3 =	vor.u32 v3, v4  }
0xc0: {  	v4 =	vperm.xlane v3, v0;
	_ =	sdelay $0x1  }
0xc1: {  	v4 =	vadd.s32 v1, v4;
	_ =	sdelay $0x3  }
0xc2: {  	s21 =	simm.s32 $0xC080  }
0xc3: {  	[tilespmem:s21], [sflag:$0x2] =	stream.indirect_vreg.gather [hbm4b:s3+s2], $0x80, v4, vm0, $0xb8;
	[tilespmem:$0x10080] =	vst v63  }
0xc4: {  	v3 =	vperm.xlane v3, v2;
	s21 =	simm.s32 $0xC880  }
0xc5: {  	[tilespmem:s21], [sflag:$0x2] =	stream.indirect_vreg.gather [hbm4b:s5+s2], $0x80, v4, vm0, $0xb8;
	[tilespmem:$0x10080] =	vst v63  }
0xc6: {  	v3 =	vadd.s32 v1, v3;
	s21 =	simm.s32 $0xD080  }
0xc7: {  	[tilespmem:s21], [sflag:$0x2] =	stream.indirect_vreg.gather [hbm4b:s6+s2], $0x80, v4, vm0, $0xb8;
	[tilespmem:$0x10080] =	vst v63  }
0xc8: {  	s21 =	simm.s32 $0xD880  }
0xc9: {  	[tilespmem:s21], [sflag:$0x2] =	stream.indirect_vreg.gather [hbm4b:s7+s2], $0x80, v4, vm0, $0xb8;
	[tilespmem:$0x10080] =	vst v63  }
0xca: {  	s21 =	simm.s32 $0xE080  }
0xcb: {  	[tilespmem:s21], [sflag:$0x2] =	stream.indirect_vreg.gather [hbm4b:s3+s2], $0x80, v3, vm0, $0xb8;
	[tilespmem:$0x10080] =	vst v63  }
0xcc: {  	s21 =	simm.s32 $0xE880  }
0xcd: {  	[tilespmem:s21], [sflag:$0x2] =	stream.indirect_vreg.gather [hbm4b:s5+s2], $0x80, v3, vm0, $0xb8;
	[tilespmem:$0x10080] =	vst v63  }
0xce: {  	s21 =	simm.s32 $0xF080  }
0xcf: {  	[tilespmem:s21], [sflag:$0x2] =	stream.indirect_vreg.gather [hbm4b:s6+s2], $0x80, v3, vm0, $0xb8;
	[tilespmem:$0x10080] =	vst v63  }
0xd0: {  	s21 =	simm.s32 $0xF880  }
0xd1: {  	[tilespmem:s21], [sflag:$0x2] =	stream.indirect_vreg.gather [hbm4b:s7+s2], $0x80, v3, vm0, $0xb8;
	[tilespmem:$0x10080] =	vst v63  }
0xd2: {  	_ =	swait.ge [sflag:s10], $0x8000  }
0xd3: {  	[sflag:s10] =	ssyncset.done $0x0  }
0xd4: {  	s0 =	rddreg [dreg:$0x5];
	[sflag:s10] =	ssyncadd.s32 $0xFFFF8000  }
0xd5: {  	[hbm4b:s0+s2] =	stream.linear.scatter [tilespmem:s26], [sflag:$0x3], $0x8000, $0x38;
	[tilespmem:$0x10080] =	vst v63  }
0xd6: {  	_ =	swait.ge [sflag:s9], $0x8000  }
0xd7: {  	[sflag:s9] =	ssyncset.done $0x0  }
0xd8: {  	[sflag:s9] =	ssyncadd.s32 $0xFFFF8000  }
0xd9: {  	_ =	swait.ge [sflag:s20], $0x8000  }
0xda: {  	p0 =	sne.s32 s8, $0x1;
	[sflag:s20] =	ssyncset.done $0x0  }
.Ltmp0:
0xdb: {  	s0 =	rddreg [dreg:$0x6];
	[sflag:s20] =	ssyncadd.s32 $0xFFFF8000;
	(pc) =	sbr.rel @p0 .LBB2_1-.Ltmp0, $4  }
0xdc: {  	[hbm4b:s0+s2] =	stream.linear.scatter [tilespmem:s4], [sflag:$0x3], $0x8000, $0x38;
	[tilespmem:$0x10080] =	vst v63  }
0xdd: {  	_ =	swait.ge [sflag:s9], $0x8000  }
0xde: {  	[sflag:s9] =	ssyncset.done $0x0  }
0xdf: {  	s8 =	sadd.s32 $0xFFFFFFFF, s8;
	[sflag:s9] =	ssyncadd.s32 $0xFFFF8000  }
0xe0: {  	_ =	sfence.sel $0x180000  }
0xe1: {  	[bflag:$0x0] =	sbarrier.arrive $0xFFFF  }
0xe2: {  	_ =	strace $0x9000004A  }
0xe3: {  	s0 =	stileid.u32;
	[bflag:$0x2] =	sbarrier.arrive $0xFFFF  }
0xe4: {  	p0 =	sne.s32 s0, $0x0;
	s0 =	rddreg [dreg:$0x2]  }
0xe5: {  	s0 =	sadd.s32 @!p0 $0x100000, s0  }
0xe6: {  	[sflag:s0] =	ssyncadd.tile.s32 @!p0 $0x1;
	_ =	shalt  }
.Lfunc_end2:
_tile_overlayer_lowered:
.L_overlay_start_2:
0xe7: {  	(tag) =	ssettag $0x2  }
0xe8: {  	s0 =	rddreg [dreg:$0x0];
	s2 =	stileid.u32  }
0xe9: {  	s1 =	rddreg [dreg:$0x1];
	p0 =	sne.s32 s2, $0x0  }
0xea: {  	s3 =	rddreg [dreg:$0x2];
	[bflag:$0x3] =	sbarrier.arrive $0xFFFF;
	s2 =	simm.s32 @!p0 $0x1C03  }
0xeb: {  	[timem:s3], [sflag:s2] =	dma.local @!p0 [hbm:s0], s1  }
0xec: {  	s0 =	simm.s32 @!p0 $0x3  }
0xed: {  	_ =	swait.ge @!p0 [sflag:s0], s1  }
0xee: {  	s1 =	ssub.s32 @!p0 $0x0, s1;
	[sflag:s0] =	ssyncset.done @!p0 $0x0  }
0xef: {  	[sflag:s0] =	ssyncadd.s32 @!p0 s1  }
0xf0: {  	[bflag:$0x3] =	sbarrier.arrive $0xFFFF  }
0xf1: {  	_ =	shalt  }

</sc_bundles>
